<compile_context>
chip_gen: v7x
topology: tpu7x:2x2x1
jax: 0.10.2.dev20260603
libtpu: 0.0.44.dev20260713+nightly
codegen_flags: <defaults>
</compile_context>

<pallas_src>
import functools

import jax
import jax.numpy as jnp
from jax import lax
from jax.experimental import pallas as pl
from jax.experimental.pallas import tpu as pltpu
from jax.experimental.pallas import tpu_sc as plsc

B = 1024
D = 64
N = 100000
K = 8
BLK = 2048
NBLK = -(-N // BLK)
NEG = -3.0e38

NW = 32
BPW = (B * K) // NW
QPW = B // NW


def _topk_body(q_ref, k_ref, wexp_ref, idx_ref, bv_ref, bi_ref):
    j = pl.program_id(0)

    @pl.when(j == 0)
    def _():
        bv_ref[...] = jnp.full((B, K), NEG, jnp.float32)
        bi_ref[...] = jnp.zeros((B, K), jnp.int32)

    base = j * BLK
    q = q_ref[...]
    qn = q / jnp.maximum(jnp.sqrt(jnp.sum(q * q, axis=1, keepdims=True)), 1e-12)
    kb = k_ref[...]
    kn = kb / jnp.maximum(jnp.sqrt(jnp.sum(kb * kb, axis=1, keepdims=True)), 1e-12)
    rowv = (lax.broadcasted_iota(jnp.int32, (BLK, 1), 0) + base) < N
    kn1 = jnp.concatenate(
        [jnp.where(rowv, kn, 0.0), jnp.where(rowv, 0.0, -4.0)], axis=1)
    qn1 = jnp.concatenate([qn, jnp.ones((B, 1), jnp.float32)], axis=1)
    sim = lax.dot_general(qn1, kn1, (((1,), (1,)), ((), ())),
                          preferred_element_type=jnp.float32)

    col = lax.broadcasted_iota(jnp.int32, (B, BLK), 1)

    k8 = lax.broadcasted_iota(jnp.int32, (B, K), 1)

    def cond(carry):
        sim, m, bv, bi = carry
        return jnp.any(m >= bv[:, K - 1:K])

    def body(carry):
        sim, m, bv, bi = carry
        iseq = sim == m
        am = jnp.min(jnp.where(iseq, col, BLK), axis=1, keepdims=True)
        gidx = am + base
        pos = jnp.sum((bv >= m).astype(jnp.int32), axis=1, keepdims=True)
        bvm1 = jnp.concatenate([bv[:, :1], bv[:, :K - 1]], axis=1)
        bim1 = jnp.concatenate([bi[:, :1], bi[:, :K - 1]], axis=1)
        bv = jnp.where(k8 < pos, bv, jnp.where(k8 == pos, m, bvm1))
        bi = jnp.where(k8 < pos, bi, jnp.where(k8 == pos, gidx, bim1))
        sim = jnp.where(col == am, NEG, sim)
        m = jnp.max(sim, axis=1, keepdims=True)
        return sim, m, bv, bi

    m0 = jnp.max(sim, axis=1, keepdims=True)
    _, _, bv, bi = lax.while_loop(
        cond, body, (sim, m0, bv_ref[...], bi_ref[...]))
    bv_ref[...] = bv
    bi_ref[...] = bi

    @pl.when(j == NBLK - 1)
    def _():
        bv = bv_ref[...]
        e = jnp.exp(bv - bv[:, 0:1])
        w = e / jnp.sum(e, axis=1, keepdims=True)
        wexp_ref[...] = jnp.concatenate(
            [jnp.broadcast_to(w[:, t:t + 1], (B, D)) for t in range(K)], axis=1)
        idx_ref[...] = bi_ref[...]


def _topk_call(query, keys_pad):
    return pl.pallas_call(
        _topk_body,
        grid=(NBLK,),
        in_specs=[
            pl.BlockSpec((B, D), lambda j: (0, 0)),
            pl.BlockSpec((BLK, D), lambda j: (j, 0)),
        ],
        out_specs=[
            pl.BlockSpec((B, K * D), lambda j: (0, 0)),
            pl.BlockSpec((B, K), lambda j: (0, 0)),
        ],
        out_shape=[
            jax.ShapeDtypeStruct((B, K * D), jnp.float32),
            jax.ShapeDtypeStruct((B, K), jnp.int32),
        ],
        scratch_shapes=[
            pltpu.VMEM((B, K), jnp.float32),
            pltpu.VMEM((B, K), jnp.int32),
        ],
        compiler_params=pltpu.CompilerParams(
            dimension_semantics=("arbitrary",)),
    )(query, keys_pad)


def _sc_gather_body(values_hbm, idx_hbm, wexp_hbm, out_hbm,
                    idx_v, rows_v, w_v, out_v, sem):
    wid = lax.axis_index("s") * 2 + lax.axis_index("c")
    base = wid * BPW
    pltpu.sync_copy(idx_hbm.at[pl.ds(base, BPW)], idx_v)
    cps = [pltpu.async_copy(values_hbm.at[idx_v.at[pl.ds(h * 128, 128)]],
                            rows_v.at[pl.ds(h * 128, 128)], sem)
           for h in range(BPW // 128)]
    pltpu.sync_copy(wexp_hbm.at[pl.ds(wid * QPW, QPW)], w_v)
    for cp in cps:
        cp.wait()

    @pl.loop(0, QPW)
    def _(q):
        r0 = q * K
        for c in range(D // 16):
            cs = pl.ds(c * 16, 16)
            acc = (rows_v.at[pl.ds(r0, 1), cs][...]
                   * w_v.at[pl.ds(q, 1), pl.ds(c * 16, 16)][...])
            for k in range(1, K):
                acc = acc + (rows_v.at[pl.ds(r0 + k, 1), cs][...]
                             * w_v.at[pl.ds(q, 1), pl.ds(k * D + c * 16, 16)][...])
            out_v.at[pl.ds(q, 1), cs][...] = acc

    pltpu.sync_copy(out_v, out_hbm.at[pl.ds(wid * QPW, QPW)])


@functools.lru_cache(maxsize=1)
def _sc_gather_kernel():
    return pl.kernel(
        _sc_gather_body,
        mesh=plsc.VectorSubcoreMesh(core_axis_name="c", subcore_axis_name="s"),
        out_type=jax.ShapeDtypeStruct((B, D), jnp.float32),
        scratch_types=[
            pltpu.VMEM((BPW,), jnp.int32),
            pltpu.VMEM((BPW, D), jnp.float32),
            pltpu.VMEM((QPW, K * D), jnp.float32),
            pltpu.VMEM((QPW, D), jnp.float32),
            pltpu.SemaphoreType.DMA,
        ],
        compiler_params=pltpu.CompilerParams(use_tc_tiling_on_sc=False),
    )


def kernel(query, keys, values):
    wexp, idx = _topk_call(query, keys)
    return _sc_gather_kernel()(values, idx.reshape(B * K), wexp)

# --- scband reference (transcript-rebuilt; emitter-appended) ---
"""Pipeline reference for scband-key-value-memory-39204461478014 (READ-ONLY COPY).

The authoritative reference and input builder live on the scoring server;
editing this copy changes nothing except your own understanding.
"""

import jax, jax.numpy as jnp
import numpy as np

MEM_SIZE = 100000
KEY_DIM = 64
VALUE_DIM = 64
TOPK = 8

def _l2_normalize(x, axis):
    n = jnp.linalg.norm(x, axis=axis, keepdims=True)
    return x / jnp.maximum(n, 1e-12)

def setup_inputs(seed: int = 0) -> dict:
    key = jax.random.key(seed)
    k1, k2, k3 = jax.random.split(key, 3)
    query = jax.random.normal(k1, (1024, KEY_DIM), dtype=jnp.float32)
    keys = jax.random.normal(k2, (MEM_SIZE, KEY_DIM), dtype=jnp.float32)
    values = jax.random.normal(k3, (MEM_SIZE, VALUE_DIM), dtype=jnp.float32)
    return {"query": query, "keys": keys, "values": values}

def reference(query, keys, values):
    # _match_vector path (query.dim() == 2)
    q_norm = _l2_normalize(query, axis=1)
    k_norm = _l2_normalize(keys, axis=1)
    sim = jnp.matmul(q_norm, k_norm.T)              # [B, mem_size]
    topk_sim, topk_idx = jax.lax.top_k(sim, TOPK)   # [B, topk]
    weights = jax.nn.softmax(topk_sim, axis=1)      # [B, topk]
    selected_values = values[topk_idx]              # gather: [B, topk, value_dim]
    output = jnp.sum(weights[..., None] * selected_values, axis=1)  # [B, value_dim]
    return output

if __name__ == "__main__":
    import jax
    _d = setup_inputs()
    print(jax.jit(kernel)(*tuple(_d.values())))

</pallas_src>

<mosaic_0001>
#map = affine_map<(d0, d1) -> (0, 0)>
#map1 = affine_map<(d0, d1) -> (0)>
module attributes {stable_mosaic.version = 14 : i64} {
  func.func @_sc_gather_body(%arg0: i32, %arg1: i32, %arg2: memref<100000x64xf32, #tpu.memory_space<hbm>>, %arg3: memref<8192xi32, #tpu.memory_space<hbm>>, %arg4: memref<1024x512xf32, #tpu.memory_space<hbm>>, %arg5: memref<1024x64xf32, #tpu.memory_space<hbm>>, %arg6: memref<256xi32, #tpu.memory_space<vmem>>, %arg7: memref<256x64xf32, #tpu.memory_space<vmem>>, %arg8: memref<32x512xf32, #tpu.memory_space<vmem>>, %arg9: memref<32x64xf32, #tpu.memory_space<vmem>>, %arg10: memref<!tpu.dma_semaphore, #tpu.memory_space<semaphore_mem>>) attributes {dimension_semantics = [#tpu.dimension_semantics<core_parallel>, #tpu.dimension_semantics<subcore_parallel>], iteration_bounds = array<i64: 2, 16>, scalar_prefetch = 0 : i64, scratch_operands = 5 : i64, tpu.core_type = #tpu.core_type<sc_vector_subcore>, window_params = [{transform_indices = #map}, {transform_indices = #map1}, {transform_indices = #map}, {transform_indices = #map}]} {
    %mul3A = arith.constant 2 : i32
    %mul3A_0 = arith.muli %arg1, %mul3A : i32
    %add3A = arith.addi %mul3A_0, %arg0 : i32
    %mul3A_1 = arith.constant 256 : i32
    %mul3A_2 = arith.muli %add3A, %mul3A_1 : i32
    "tpu.region"() ({
      %run_scoped3A = tpu.sem_alloc : memref<!tpu.dma_semaphore, #tpu.memory_space<semaphore_mem>>
      %dma_start3A_41 = tpu.memref_slice %arg3[%mul3A_2] : memref<8192xi32, #tpu.memory_space<hbm>> -> memref<256xi32, #tpu.memory_space<hbm>>
      %dma_start3A_42 = tpu.memref_slice %arg3[%mul3A_2] : memref<8192xi32, #tpu.memory_space<hbm>> -> memref<256xi32, #tpu.memory_space<hbm>>
      tpu.enqueue_dma source(%dma_start3A_42 : memref<256xi32, #tpu.memory_space<hbm>>) target(%arg6 : memref<256xi32, #tpu.memory_space<vmem>>) target_semaphore(%run_scoped3A : memref<!tpu.dma_semaphore, #tpu.memory_space<semaphore_mem>>)
      %dma_wait3A_43 = tpu.memref_slice %arg3[%mul3A_2] : memref<8192xi32, #tpu.memory_space<hbm>> -> memref<256xi32, #tpu.memory_space<hbm>>
      %dma_wait3A_44 = tpu.memref_slice %arg3[%mul3A_2] : memref<8192xi32, #tpu.memory_space<hbm>> -> memref<256xi32, #tpu.memory_space<hbm>>
      tpu.wait_dma2 semaphore(%run_scoped3A : memref<!tpu.dma_semaphore, #tpu.memory_space<semaphore_mem>>) src(%dma_wait3A_44 : memref<256xi32, #tpu.memory_space<hbm>>) dst(%arg6 : memref<256xi32, #tpu.memory_space<vmem>>)
      tpu.yield
    }) : () -> ()
    %dma_start3A = arith.constant 0 : i32
    %dma_start3A_3 = arith.constant 0 : i32
    %dma_start3A_4 = tpu.memref_slice %arg7[%dma_start3A, %dma_start3A_3] : memref<256x64xf32, #tpu.memory_space<vmem>> -> memref<128x64xf32, #tpu.memory_space<vmem>>
    %dma_start3A_5 = arith.constant 0 : i32
    %dma_start3A_6 = tpu.memref_slice %arg6[%dma_start3A_5] : memref<256xi32, #tpu.memory_space<vmem>> -> memref<128xi32, #tpu.memory_space<vmem>>
    %dma_start3A_7 = arith.constant 0 : i32
    %dma_start3A_8 = arith.constant 0 : i32
    %dma_start3A_9 = tpu.memref_slice %arg2[%dma_start3A_7, %dma_start3A_8] : memref<100000x64xf32, #tpu.memory_space<hbm>> -> memref<100000x64xf32, #tpu.memory_space<hbm>>
    tpu.enqueue_indirect_dma source(%dma_start3A_9 : memref<100000x64xf32, #tpu.memory_space<hbm>>) target(%dma_start3A_4 : memref<128x64xf32, #tpu.memory_space<vmem>>) offsets(%dma_start3A_6 : memref<128xi32, #tpu.memory_space<vmem>>) semaphore(%arg10 : memref<!tpu.dma_semaphore, #tpu.memory_space<semaphore_mem>>)
    %dma_start3A_10 = arith.constant 128 : i32
    %dma_start3A_11 = arith.constant 0 : i32
    %dma_start3A_12 = tpu.memref_slice %arg7[%dma_start3A_10, %dma_start3A_11] : memref<256x64xf32, #tpu.memory_space<vmem>> -> memref<128x64xf32, #tpu.memory_space<vmem>>
    %dma_start3A_13 = arith.constant 128 : i32
    %dma_start3A_14 = tpu.memref_slice %arg6[%dma_start3A_13] : memref<256xi32, #tpu.memory_space<vmem>> -> memref<128xi32, #tpu.memory_space<vmem>>
    %dma_start3A_15 = arith.constant 0 : i32
    %dma_start3A_16 = arith.constant 0 : i32
    %dma_start3A_17 = tpu.memref_slice %arg2[%dma_start3A_15, %dma_start3A_16] : memref<100000x64xf32, #tpu.memory_space<hbm>> -> memref<100000x64xf32, #tpu.memory_space<hbm>>
    tpu.enqueue_indirect_dma source(%dma_start3A_17 : memref<100000x64xf32, #tpu.memory_space<hbm>>) target(%dma_start3A_12 : memref<128x64xf32, #tpu.memory_space<vmem>>) offsets(%dma_start3A_14 : memref<128xi32, #tpu.memory_space<vmem>>) semaphore(%arg10 : memref<!tpu.dma_semaphore, #tpu.memory_space<semaphore_mem>>)
    %mul3A_18 = arith.constant 32 : i32
    %mul3A_19 = arith.muli %add3A, %mul3A_18 : i32
    "tpu.region"() ({
      %run_scoped3A = tpu.sem_alloc : memref<!tpu.dma_semaphore, #tpu.memory_space<semaphore_mem>>
      %dma_start3A_41 = arith.constant 0 : i32
      %dma_start3A_42 = tpu.memref_slice %arg4[%mul3A_19, %dma_start3A_41] : memref<1024x512xf32, #tpu.memory_space<hbm>> -> memref<32x512xf32, #tpu.memory_space<hbm>>
      %dma_start3A_43 = arith.constant 0 : i32
      %dma_start3A_44 = tpu.memref_slice %arg4[%mul3A_19, %dma_start3A_43] : memref<1024x512xf32, #tpu.memory_space<hbm>> -> memref<32x512xf32, #tpu.memory_space<hbm>>
      tpu.enqueue_dma source(%dma_start3A_44 : memref<32x512xf32, #tpu.memory_space<hbm>>) target(%arg8 : memref<32x512xf32, #tpu.memory_space<vmem>>) target_semaphore(%run_scoped3A : memref<!tpu.dma_semaphore, #tpu.memory_space<semaphore_mem>>)
      %dma_wait3A_45 = arith.constant 0 : i32
      %dma_wait3A_46 = tpu.memref_slice %arg4[%mul3A_19, %dma_wait3A_45] : memref<1024x512xf32, #tpu.memory_space<hbm>> -> memref<32x512xf32, #tpu.memory_space<hbm>>
      %dma_wait3A_47 = arith.constant 0 : i32
      %dma_wait3A_48 = tpu.memref_slice %arg4[%mul3A_19, %dma_wait3A_47] : memref<1024x512xf32, #tpu.memory_space<hbm>> -> memref<32x512xf32, #tpu.memory_space<hbm>>
      tpu.wait_dma2 semaphore(%run_scoped3A : memref<!tpu.dma_semaphore, #tpu.memory_space<semaphore_mem>>) src(%dma_wait3A_48 : memref<32x512xf32, #tpu.memory_space<hbm>>) dst(%arg8 : memref<32x512xf32, #tpu.memory_space<vmem>>)
      tpu.yield
    }) : () -> ()
    %dma_wait3A = arith.constant 0 : i32
    %dma_wait3A_20 = arith.constant 0 : i32
    %dma_wait3A_21 = tpu.memref_slice %arg7[%dma_wait3A, %dma_wait3A_20] : memref<256x64xf32, #tpu.memory_space<vmem>> -> memref<128x64xf32, #tpu.memory_space<vmem>>
    %dma_wait3A_22 = arith.constant 0 : i32
    %dma_wait3A_23 = tpu.memref_slice %arg6[%dma_wait3A_22] : memref<256xi32, #tpu.memory_space<vmem>> -> memref<128xi32, #tpu.memory_space<vmem>>
    %dma_wait3A_24 = arith.constant 0 : i32
    %dma_wait3A_25 = arith.constant 0 : i32
    %dma_wait3A_26 = tpu.memref_slice %arg2[%dma_wait3A_24, %dma_wait3A_25] : memref<100000x64xf32, #tpu.memory_space<hbm>> -> memref<100000x64xf32, #tpu.memory_space<hbm>>
    tpu.wait_indirect_dma semaphore(%arg10 : memref<!tpu.dma_semaphore, #tpu.memory_space<semaphore_mem>>) src(%dma_wait3A_26 : memref<100000x64xf32, #tpu.memory_space<hbm>>) dst(%dma_wait3A_21 : memref<128x64xf32, #tpu.memory_space<vmem>>)
    %dma_wait3A_27 = arith.constant 128 : i32
    %dma_wait3A_28 = arith.constant 0 : i32
    %dma_wait3A_29 = tpu.memref_slice %arg7[%dma_wait3A_27, %dma_wait3A_28] : memref<256x64xf32, #tpu.memory_space<vmem>> -> memref<128x64xf32, #tpu.memory_space<vmem>>
    %dma_wait3A_30 = arith.constant 128 : i32
    %dma_wait3A_31 = tpu.memref_slice %arg6[%dma_wait3A_30] : memref<256xi32, #tpu.memory_space<vmem>> -> memref<128xi32, #tpu.memory_space<vmem>>
    %dma_wait3A_32 = arith.constant 0 : i32
    %dma_wait3A_33 = arith.constant 0 : i32
    %dma_wait3A_34 = tpu.memref_slice %arg2[%dma_wait3A_32, %dma_wait3A_33] : memref<100000x64xf32, #tpu.memory_space<hbm>> -> memref<100000x64xf32, #tpu.memory_space<hbm>>
    tpu.wait_indirect_dma semaphore(%arg10 : memref<!tpu.dma_semaphore, #tpu.memory_space<semaphore_mem>>) src(%dma_wait3A_34 : memref<100000x64xf32, #tpu.memory_space<hbm>>) dst(%dma_wait3A_29 : memref<128x64xf32, #tpu.memory_space<vmem>>)
    %scan3A = arith.constant 0 : i32
    %scan3A_35 = arith.constant 32 : i32
    %scan3A_36 = arith.addi %scan3A, %scan3A_35 : i32
    %scan3A_37 = arith.constant 1 : i32
    scf.for %scan3A_41 = %scan3A to %scan3A_36 step %scan3A_37  : i32 {
      %mul3A_42 = arith.constant 1 : i32
      %mul3A_43 = arith.muli %scan3A_41, %mul3A_42 : i32
      %add3A_44 = arith.constant 0 : i32
      %add3A_45 = arith.addi %add3A_44, %mul3A_43 : i32
      %mul3A_46 = arith.constant 8 : i32
      %mul3A_47 = arith.muli %add3A_45, %mul3A_46 : i32
      %get3A = arith.index_cast %mul3A_47 : i32 to index
      %get3A_48 = arith.constant 0 : index
      %get3A_49 = tpu.vector_load %arg7[%get3A, %get3A_48] {strides = array<i32>} : memref<256x64xf32, #tpu.memory_space<vmem>>, vector<1x16xf32>,
      %get3A_50 = vector.shape_cast %get3A_49 : vector<1x16xf32> to vector<1x16xf32>
      %get3A_51 = arith.index_cast %add3A_45 : i32 to index
      %get3A_52 = arith.constant 0 : index
      %get3A_53 = tpu.vector_load %arg8[%get3A_51, %get3A_52] {strides = array<i32>} : memref<32x512xf32, #tpu.memory_space<vmem>>, vector<1x16xf32>,
      %get3A_54 = vector.shape_cast %get3A_53 : vector<1x16xf32> to vector<1x16xf32>
      %mul3A_55 = arith.mulf %get3A_50, %get3A_54 : vector<1x16xf32>
      %add3A_56 = arith.constant 1 : i32
      %add3A_57 = arith.addi %mul3A_47, %add3A_56 : i32
      %get3A_58 = arith.index_cast %add3A_57 : i32 to index
      %get3A_59 = arith.constant 0 : index
      %get3A_60 = tpu.vector_load %arg7[%get3A_58, %get3A_59] {strides = array<i32>} : memref<256x64xf32, #tpu.memory_space<vmem>>, vector<1x16xf32>,
      %get3A_61 = vector.shape_cast %get3A_60 : vector<1x16xf32> to vector<1x16xf32>
      %get3A_62 = arith.index_cast %add3A_45 : i32 to index
      %get3A_63 = arith.constant 64 : index
      %get3A_64 = tpu.vector_load %arg8[%get3A_62, %get3A_63] {strides = array<i32>} : memref<32x512xf32, #tpu.memory_space<vmem>>, vector<1x16xf32>,
      %get3A_65 = vector.shape_cast %get3A_64 : vector<1x16xf32> to vector<1x16xf32>
      %mul3A_66 = arith.mulf %get3A_61, %get3A_65 : vector<1x16xf32>
      %add3A_67 = arith.addf %mul3A_55, %mul3A_66 : vector<1x16xf32>
      %add3A_68 = arith.constant 2 : i32
      %add3A_69 = arith.addi %mul3A_47, %add3A_68 : i32
      %get3A_70 = arith.index_cast %add3A_69 : i32 to index
      %get3A_71 = arith.constant 0 : index
      %get3A_72 = tpu.vector_load %arg7[%get3A_70, %get3A_71] {strides = array<i32>} : memref<256x64xf32, #tpu.memory_space<vmem>>, vector<1x16xf32>,
      %get3A_73 = vector.shape_cast %get3A_72 : vector<1x16xf32> to vector<1x16xf32>
      %get3A_74 = arith.index_cast %add3A_45 : i32 to index
      %get3A_75 = arith.constant 128 : index
      %get3A_76 = tpu.vector_load %arg8[%get3A_74, %get3A_75] {strides = array<i32>} : memref<32x512xf32, #tpu.memory_space<vmem>>, vector<1x16xf32>,
      %get3A_77 = vector.shape_cast %get3A_76 : vector<1x16xf32> to vector<1x16xf32>
      %mul3A_78 = arith.mulf %get3A_73, %get3A_77 : vector<1x16xf32>
      %add3A_79 = arith.addf %add3A_67, %mul3A_78 : vector<1x16xf32>
      %add3A_80 = arith.constant 3 : i32
      %add3A_81 = arith.addi %mul3A_47, %add3A_80 : i32
      %get3A_82 = arith.index_cast %add3A_81 : i32 to index
      %get3A_83 = arith.constant 0 : index
      %get3A_84 = tpu.vector_load %arg7[%get3A_82, %get3A_83] {strides = array<i32>} : memref<256x64xf32, #tpu.memory_space<vmem>>, vector<1x16xf32>,
      %get3A_85 = vector.shape_cast %get3A_84 : vector<1x16xf32> to vector<1x16xf32>
      %get3A_86 = arith.index_cast %add3A_45 : i32 to index
      %get3A_87 = arith.constant 192 : index
      %get3A_88 = tpu.vector_load %arg8[%get3A_86, %get3A_87] {strides = array<i32>} : memref<32x512xf32, #tpu.memory_space<vmem>>, vector<1x16xf32>,
      %get3A_89 = vector.shape_cast %get3A_88 : vector<1x16xf32> to vector<1x16xf32>
      %mul3A_90 = arith.mulf %get3A_85, %get3A_89 : vector<1x16xf32>
      %add3A_91 = arith.addf %add3A_79, %mul3A_90 : vector<1x16xf32>
      %add3A_92 = arith.constant 4 : i32
      %add3A_93 = arith.addi %mul3A_47, %add3A_92 : i32
      %get3A_94 = arith.index_cast %add3A_93 : i32 to index
      %get3A_95 = arith.constant 0 : index
      %get3A_96 = tpu.vector_load %arg7[%get3A_94, %get3A_95] {strides = array<i32>} : memref<256x64xf32, #tpu.memory_space<vmem>>, vector<1x16xf32>,
      %get3A_97 = vector.shape_cast %get3A_96 : vector<1x16xf32> to vector<1x16xf32>
      %get3A_98 = arith.index_cast %add3A_45 : i32 to index
      %get3A_99 = arith.constant 256 : index
      %get3A_100 = tpu.vector_load %arg8[%get3A_98, %get3A_99] {strides = array<i32>} : memref<32x512xf32, #tpu.memory_space<vmem>>, vector<1x16xf32>,
      %get3A_101 = vector.shape_cast %get3A_100 : vector<1x16xf32> to vector<1x16xf32>
      %mul3A_102 = arith.mulf %get3A_97, %get3A_101 : vector<1x16xf32>
      %add3A_103 = arith.addf %add3A_91, %mul3A_102 : vector<1x16xf32>
      %add3A_104 = arith.constant 5 : i32
      %add3A_105 = arith.addi %mul3A_47, %add3A_104 : i32
      %get3A_106 = arith.index_cast %add3A_105 : i32 to index
      %get3A_107 = arith.constant 0 : index
      %get3A_108 = tpu.vector_load %arg7[%get3A_106, %get3A_107] {strides = array<i32>} : memref<256x64xf32, #tpu.memory_space<vmem>>, vector<1x16xf32>,
      %get3A_109 = vector.shape_cast %get3A_108 : vector<1x16xf32> to vector<1x16xf32>
      %get3A_110 = arith.index_cast %add3A_45 : i32 to index
      %get3A_111 = arith.constant 320 : index
      %get3A_112 = tpu.vector_load %arg8[%get3A_110, %get3A_111] {strides = array<i32>} : memref<32x512xf32, #tpu.memory_space<vmem>>, vector<1x16xf32>,
      %get3A_113 = vector.shape_cast %get3A_112 : vector<1x16xf32> to vector<1x16xf32>
      %mul3A_114 = arith.mulf %get3A_109, %get3A_113 : vector<1x16xf32>
      %add3A_115 = arith.addf %add3A_103, %mul3A_114 : vector<1x16xf32>
      %add3A_116 = arith.constant 6 : i32
      %add3A_117 = arith.addi %mul3A_47, %add3A_116 : i32
      %get3A_118 = arith.index_cast %add3A_117 : i32 to index
      %get3A_119 = arith.constant 0 : index
      %get3A_120 = tpu.vector_load %arg7[%get3A_118, %get3A_119] {strides = array<i32>} : memref<256x64xf32, #tpu.memory_space<vmem>>, vector<1x16xf32>,
      %get3A_121 = vector.shape_cast %get3A_120 : vector<1x16xf32> to vector<1x16xf32>
      %get3A_122 = arith.index_cast %add3A_45 : i32 to index
      %get3A_123 = arith.constant 384 : index
      %get3A_124 = tpu.vector_load %arg8[%get3A_122, %get3A_123] {strides = array<i32>} : memref<32x512xf32, #tpu.memory_space<vmem>>, vector<1x16xf32>,
      %get3A_125 = vector.shape_cast %get3A_124 : vector<1x16xf32> to vector<1x16xf32>
      %mul3A_126 = arith.mulf %get3A_121, %get3A_125 : vector<1x16xf32>
      %add3A_127 = arith.addf %add3A_115, %mul3A_126 : vector<1x16xf32>
      %add3A_128 = arith.constant 7 : i32
      %add3A_129 = arith.addi %mul3A_47, %add3A_128 : i32
      %get3A_130 = arith.index_cast %add3A_129 : i32 to index
      %get3A_131 = arith.constant 0 : index
      %get3A_132 = tpu.vector_load %arg7[%get3A_130, %get3A_131] {strides = array<i32>} : memref<256x64xf32, #tpu.memory_space<vmem>>, vector<1x16xf32>,
      %get3A_133 = vector.shape_cast %get3A_132 : vector<1x16xf32> to vector<1x16xf32>
      %get3A_134 = arith.index_cast %add3A_45 : i32 to index
      %get3A_135 = arith.constant 448 : index
      %get3A_136 = tpu.vector_load %arg8[%get3A_134, %get3A_135] {strides = array<i32>} : memref<32x512xf32, #tpu.memory_space<vmem>>, vector<1x16xf32>,
      %get3A_137 = vector.shape_cast %get3A_136 : vector<1x16xf32> to vector<1x16xf32>
      %mul3A_138 = arith.mulf %get3A_133, %get3A_137 : vector<1x16xf32>
      %add3A_139 = arith.addf %add3A_127, %mul3A_138 : vector<1x16xf32>
      %swap3A = arith.index_cast %add3A_45 : i32 to index
      %swap3A_140 = arith.constant 0 : index
      %swap3A_141 = tpu.vector_load %arg9[%swap3A, %swap3A_140] {strides = array<i32>} : memref<32x64xf32, #tpu.memory_space<vmem>>, vector<1x16xf32>,
      %swap3A_142 = vector.shape_cast %swap3A_141 : vector<1x16xf32> to vector<1x16xf32>
      %swap3A_143 = vector.shape_cast %add3A_139 : vector<1x16xf32> to vector<1x16xf32>
      tpu.vector_store %arg9[%swap3A, %swap3A_140], %swap3A_143 {strides = array<i32>} : memref<32x64xf32, #tpu.memory_space<vmem>>, vector<1x16xf32>,
      %get3A_144 = arith.index_cast %mul3A_47 : i32 to index
      %get3A_145 = arith.constant 16 : index
      %get3A_146 = tpu.vector_load %arg7[%get3A_144, %get3A_145] {strides = array<i32>} : memref<256x64xf32, #tpu.memory_space<vmem>>, vector<1x16xf32>,
      %get3A_147 = vector.shape_cast %get3A_146 : vector<1x16xf32> to vector<1x16xf32>
      %get3A_148 = arith.index_cast %add3A_45 : i32 to index
      %get3A_149 = arith.constant 16 : index
      %get3A_150 = tpu.vector_load %arg8[%get3A_148, %get3A_149] {strides = array<i32>} : memref<32x512xf32, #tpu.memory_space<vmem>>, vector<1x16xf32>,
      %get3A_151 = vector.shape_cast %get3A_150 : vector<1x16xf32> to vector<1x16xf32>
      %mul3A_152 = arith.mulf %get3A_147, %get3A_151 : vector<1x16xf32>
      %add3A_153 = arith.constant 1 : i32
      %add3A_154 = arith.addi %mul3A_47, %add3A_153 : i32
      %get3A_155 = arith.index_cast %add3A_154 : i32 to index
      %get3A_156 = arith.constant 16 : index
      %get3A_157 = tpu.vector_load %arg7[%get3A_155, %get3A_156] {strides = array<i32>} : memref<256x64xf32, #tpu.memory_space<vmem>>, vector<1x16xf32>,
      %get3A_158 = vector.shape_cast %get3A_157 : vector<1x16xf32> to vector<1x16xf32>
      %get3A_159 = arith.index_cast %add3A_45 : i32 to index
      %get3A_160 = arith.constant 80 : index
      %get3A_161 = tpu.vector_load %arg8[%get3A_159, %get3A_160] {strides = array<i32>} : memref<32x512xf32, #tpu.memory_space<vmem>>, vector<1x16xf32>,
      %get3A_162 = vector.shape_cast %get3A_161 : vector<1x16xf32> to vector<1x16xf32>
      %mul3A_163 = arith.mulf %get3A_158, %get3A_162 : vector<1x16xf32>
      %add3A_164 = arith.addf %mul3A_152, %mul3A_163 : vector<1x16xf32>
      %add3A_165 = arith.constant 2 : i32
      %add3A_166 = arith.addi %mul3A_47, %add3A_165 : i32
      %get3A_167 = arith.index_cast %add3A_166 : i32 to index
      %get3A_168 = arith.constant 16 : index
      %get3A_169 = tpu.vector_load %arg7[%get3A_167, %get3A_168] {strides = array<i32>} : memref<256x64xf32, #tpu.memory_space<vmem>>, vector<1x16xf32>,
      %get3A_170 = vector.shape_cast %get3A_169 : vector<1x16xf32> to vector<1x16xf32>
      %get3A_171 = arith.index_cast %add3A_45 : i32 to index
      %get3A_172 = arith.constant 144 : index
      %get3A_173 = tpu.vector_load %arg8[%get3A_171, %get3A_172] {strides = array<i32>} : memref<32x512xf32, #tpu.memory_space<vmem>>, vector<1x16xf32>,
      %get3A_174 = vector.shape_cast %get3A_173 : vector<1x16xf32> to vector<1x16xf32>
      %mul3A_175 = arith.mulf %get3A_170, %get3A_174 : vector<1x16xf32>
      %add3A_176 = arith.addf %add3A_164, %mul3A_175 : vector<1x16xf32>
      %add3A_177 = arith.constant 3 : i32
      %add3A_178 = arith.addi %mul3A_47, %add3A_177 : i32
      %get3A_179 = arith.index_cast %add3A_178 : i32 to index
      %get3A_180 = arith.constant 16 : index
      %get3A_181 = tpu.vector_load %arg7[%get3A_179, %get3A_180] {strides = array<i32>} : memref<256x64xf32, #tpu.memory_space<vmem>>, vector<1x16xf32>,
      %get3A_182 = vector.shape_cast %get3A_181 : vector<1x16xf32> to vector<1x16xf32>
      %get3A_183 = arith.index_cast %add3A_45 : i32 to index
      %get3A_184 = arith.constant 208 : index
      %get3A_185 = tpu.vector_load %arg8[%get3A_183, %get3A_184] {strides = array<i32>} : memref<32x512xf32, #tpu.memory_space<vmem>>, vector<1x16xf32>,
      %get3A_186 = vector.shape_cast %get3A_185 : vector<1x16xf32> to vector<1x16xf32>
      %mul3A_187 = arith.mulf %get3A_182, %get3A_186 : vector<1x16xf32>
      %add3A_188 = arith.addf %add3A_176, %mul3A_187 : vector<1x16xf32>
      %add3A_189 = arith.constant 4 : i32
      %add3A_190 = arith.addi %mul3A_47, %add3A_189 : i32
      %get3A_191 = arith.index_cast %add3A_190 : i32 to index
      %get3A_192 = arith.constant 16 : index
      %get3A_193 = tpu.vector_load %arg7[%get3A_191, %get3A_192] {strides = array<i32>} : memref<256x64xf32, #tpu.memory_space<vmem>>, vector<1x16xf32>,
      %get3A_194 = vector.shape_cast %get3A_193 : vector<1x16xf32> to vector<1x16xf32>
      %get3A_195 = arith.index_cast %add3A_45 : i32 to index
      %get3A_196 = arith.constant 272 : index
      %get3A_197 = tpu.vector_load %arg8[%get3A_195, %get3A_196] {strides = array<i32>} : memref<32x512xf32, #tpu.memory_space<vmem>>, vector<1x16xf32>,
      %get3A_198 = vector.shape_cast %get3A_197 : vector<1x16xf32> to vector<1x16xf32>
      %mul3A_199 = arith.mulf %get3A_194, %get3A_198 : vector<1x16xf32>
      %add3A_200 = arith.addf %add3A_188, %mul3A_199 : vector<1x16xf32>
      %add3A_201 = arith.constant 5 : i32
      %add3A_202 = arith.addi %mul3A_47, %add3A_201 : i32
      %get3A_203 = arith.index_cast %add3A_202 : i32 to index
      %get3A_204 = arith.constant 16 : index
      %get3A_205 = tpu.vector_load %arg7[%get3A_203, %get3A_204] {strides = array<i32>} : memref<256x64xf32, #tpu.memory_space<vmem>>, vector<1x16xf32>,
      %get3A_206 = vector.shape_cast %get3A_205 : vector<1x16xf32> to vector<1x16xf32>
      %get3A_207 = arith.index_cast %add3A_45 : i32 to index
      %get3A_208 = arith.constant 336 : index
      %get3A_209 = tpu.vector_load %arg8[%get3A_207, %get3A_208] {strides = array<i32>} : memref<32x512xf32, #tpu.memory_space<vmem>>, vector<1x16xf32>,
      %get3A_210 = vector.shape_cast %get3A_209 : vector<1x16xf32> to vector<1x16xf32>
      %mul3A_211 = arith.mulf %get3A_206, %get3A_210 : vector<1x16xf32>
      %add3A_212 = arith.addf %add3A_200, %mul3A_211 : vector<1x16xf32>
      %add3A_213 = arith.constant 6 : i32
      %add3A_214 = arith.addi %mul3A_47, %add3A_213 : i32
      %get3A_215 = arith.index_cast %add3A_214 : i32 to index
      %get3A_216 = arith.constant 16 : index
      %get3A_217 = tpu.vector_load %arg7[%get3A_215, %get3A_216] {strides = array<i32>} : memref<256x64xf32, #tpu.memory_space<vmem>>, vector<1x16xf32>,
      %get3A_218 = vector.shape_cast %get3A_217 : vector<1x16xf32> to vector<1x16xf32>
      %get3A_219 = arith.index_cast %add3A_45 : i32 to index
      %get3A_220 = arith.constant 400 : index
      %get3A_221 = tpu.vector_load %arg8[%get3A_219, %get3A_220] {strides = array<i32>} : memref<32x512xf32, #tpu.memory_space<vmem>>, vector<1x16xf32>,
      %get3A_222 = vector.shape_cast %get3A_221 : vector<1x16xf32> to vector<1x16xf32>
      %mul3A_223 = arith.mulf %get3A_218, %get3A_222 : vector<1x16xf32>
      %add3A_224 = arith.addf %add3A_212, %mul3A_223 : vector<1x16xf32>
      %add3A_225 = arith.constant 7 : i32
      %add3A_226 = arith.addi %mul3A_47, %add3A_225 : i32
      %get3A_227 = arith.index_cast %add3A_226 : i32 to index
      %get3A_228 = arith.constant 16 : index
      %get3A_229 = tpu.vector_load %arg7[%get3A_227, %get3A_228] {strides = array<i32>} : memref<256x64xf32, #tpu.memory_space<vmem>>, vector<1x16xf32>,
      %get3A_230 = vector.shape_cast %get3A_229 : vector<1x16xf32> to vector<1x16xf32>
      %get3A_231 = arith.index_cast %add3A_45 : i32 to index
      %get3A_232 = arith.constant 464 : index
      %get3A_233 = tpu.vector_load %arg8[%get3A_231, %get3A_232] {strides = array<i32>} : memref<32x512xf32, #tpu.memory_space<vmem>>, vector<1x16xf32>,
      %get3A_234 = vector.shape_cast %get3A_233 : vector<1x16xf32> to vector<1x16xf32>
      %mul3A_235 = arith.mulf %get3A_230, %get3A_234 : vector<1x16xf32>
      %add3A_236 = arith.addf %add3A_224, %mul3A_235 : vector<1x16xf32>
      %swap3A_237 = arith.index_cast %add3A_45 : i32 to index
      %swap3A_238 = arith.constant 16 : index
      %swap3A_239 = tpu.vector_load %arg9[%swap3A_237, %swap3A_238] {strides = array<i32>} : memref<32x64xf32, #tpu.memory_space<vmem>>, vector<1x16xf32>,
      %swap3A_240 = vector.shape_cast %swap3A_239 : vector<1x16xf32> to vector<1x16xf32>
      %swap3A_241 = vector.shape_cast %add3A_236 : vector<1x16xf32> to vector<1x16xf32>
      tpu.vector_store %arg9[%swap3A_237, %swap3A_238], %swap3A_241 {strides = array<i32>} : memref<32x64xf32, #tpu.memory_space<vmem>>, vector<1x16xf32>,
      %get3A_242 = arith.index_cast %mul3A_47 : i32 to index
      %get3A_243 = arith.constant 32 : index
      %get3A_244 = tpu.vector_load %arg7[%get3A_242, %get3A_243] {strides = array<i32>} : memref<256x64xf32, #tpu.memory_space<vmem>>, vector<1x16xf32>,
      %get3A_245 = vector.shape_cast %get3A_244 : vector<1x16xf32> to vector<1x16xf32>
      %get3A_246 = arith.index_cast %add3A_45 : i32 to index
      %get3A_247 = arith.constant 32 : index
      %get3A_248 = tpu.vector_load %arg8[%get3A_246, %get3A_247] {strides = array<i32>} : memref<32x512xf32, #tpu.memory_space<vmem>>, vector<1x16xf32>,
      %get3A_249 = vector.shape_cast %get3A_248 : vector<1x16xf32> to vector<1x16xf32>
      %mul3A_250 = arith.mulf %get3A_245, %get3A_249 : vector<1x16xf32>
      %add3A_251 = arith.constant 1 : i32
      %add3A_252 = arith.addi %mul3A_47, %add3A_251 : i32
      %get3A_253 = arith.index_cast %add3A_252 : i32 to index
      %get3A_254 = arith.constant 32 : index
      %get3A_255 = tpu.vector_load %arg7[%get3A_253, %get3A_254] {strides = array<i32>} : memref<256x64xf32, #tpu.memory_space<vmem>>, vector<1x16xf32>,
      %get3A_256 = vector.shape_cast %get3A_255 : vector<1x16xf32> to vector<1x16xf32>
      %get3A_257 = arith.index_cast %add3A_45 : i32 to index
      %get3A_258 = arith.constant 96 : index
      %get3A_259 = tpu.vector_load %arg8[%get3A_257, %get3A_258] {strides = array<i32>} : memref<32x512xf32, #tpu.memory_space<vmem>>, vector<1x16xf32>,
      %get3A_260 = vector.shape_cast %get3A_259 : vector<1x16xf32> to vector<1x16xf32>
      %mul3A_261 = arith.mulf %get3A_256, %get3A_260 : vector<1x16xf32>
      %add3A_262 = arith.addf %mul3A_250, %mul3A_261 : vector<1x16xf32>
      %add3A_263 = arith.constant 2 : i32
      %add3A_264 = arith.addi %mul3A_47, %add3A_263 : i32
      %get3A_265 = arith.index_cast %add3A_264 : i32 to index
      %get3A_266 = arith.constant 32 : index
      %get3A_267 = tpu.vector_load %arg7[%get3A_265, %get3A_266] {strides = array<i32>} : memref<256x64xf32, #tpu.memory_space<vmem>>, vector<1x16xf32>,
      %get3A_268 = vector.shape_cast %get3A_267 : vector<1x16xf32> to vector<1x16xf32>
      %get3A_269 = arith.index_cast %add3A_45 : i32 to index
      %get3A_270 = arith.constant 160 : index
      %get3A_271 = tpu.vector_load %arg8[%get3A_269, %get3A_270] {strides = array<i32>} : memref<32x512xf32, #tpu.memory_space<vmem>>, vector<1x16xf32>,
      %get3A_272 = vector.shape_cast %get3A_271 : vector<1x16xf32> to vector<1x16xf32>
      %mul3A_273 = arith.mulf %get3A_268, %get3A_272 : vector<1x16xf32>
      %add3A_274 = arith.addf %add3A_262, %mul3A_273 : vector<1x16xf32>
      %add3A_275 = arith.constant 3 : i32
      %add3A_276 = arith.addi %mul3A_47, %add3A_275 : i32
      %get3A_277 = arith.index_cast %add3A_276 : i32 to index
      %get3A_278 = arith.constant 32 : index
      %get3A_279 = tpu.vector_load %arg7[%get3A_277, %get3A_278] {strides = array<i32>} : memref<256x64xf32, #tpu.memory_space<vmem>>, vector<1x16xf32>,
      %get3A_280 = vector.shape_cast %get3A_279 : vector<1x16xf32> to vector<1x16xf32>
      %get3A_281 = arith.index_cast %add3A_45 : i32 to index
      %get3A_282 = arith.constant 224 : index
      %get3A_283 = tpu.vector_load %arg8[%get3A_281, %get3A_282] {strides = array<i32>} : memref<32x512xf32, #tpu.memory_space<vmem>>, vector<1x16xf32>,
      %get3A_284 = vector.shape_cast %get3A_283 : vector<1x16xf32> to vector<1x16xf32>
      %mul3A_285 = arith.mulf %get3A_280, %get3A_284 : vector<1x16xf32>
      %add3A_286 = arith.addf %add3A_274, %mul3A_285 : vector<1x16xf32>
      %add3A_287 = arith.constant 4 : i32
      %add3A_288 = arith.addi %mul3A_47, %add3A_287 : i32
      %get3A_289 = arith.index_cast %add3A_288 : i32 to index
      %get3A_290 = arith.constant 32 : index
      %get3A_291 = tpu.vector_load %arg7[%get3A_289, %get3A_290] {strides = array<i32>} : memref<256x64xf32, #tpu.memory_space<vmem>>, vector<1x16xf32>,
      %get3A_292 = vector.shape_cast %get3A_291 : vector<1x16xf32> to vector<1x16xf32>
      %get3A_293 = arith.index_cast %add3A_45 : i32 to index
      %get3A_294 = arith.constant 288 : index
      %get3A_295 = tpu.vector_load %arg8[%get3A_293, %get3A_294] {strides = array<i32>} : memref<32x512xf32, #tpu.memory_space<vmem>>, vector<1x16xf32>,
      %get3A_296 = vector.shape_cast %get3A_295 : vector<1x16xf32> to vector<1x16xf32>
      %mul3A_297 = arith.mulf %get3A_292, %get3A_296 : vector<1x16xf32>
      %add3A_298 = arith.addf %add3A_286, %mul3A_297 : vector<1x16xf32>
      %add3A_299 = arith.constant 5 : i32
      %add3A_300 = arith.addi %mul3A_47, %add3A_299 : i32
      %get3A_301 = arith.index_cast %add3A_300 : i32 to index
      %get3A_302 = arith.constant 32 : index
      %get3A_303 = tpu.vector_load %arg7[%get3A_301, %get3A_302] {strides = array<i32>} : memref<256x64xf32, #tpu.memory_space<vmem>>, vector<1x16xf32>,
      %get3A_304 = vector.shape_cast %get3A_303 : vector<1x16xf32> to vector<1x16xf32>
      %get3A_305 = arith.index_cast %add3A_45 : i32 to index
      %get3A_306 = arith.constant 352 : index
      %get3A_307 = tpu.vector_load %arg8[%get3A_305, %get3A_306] {strides = array<i32>} : memref<32x512xf32, #tpu.memory_space<vmem>>, vector<1x16xf32>,
      %get3A_308 = vector.shape_cast %get3A_307 : vector<1x16xf32> to vector<1x16xf32>
      %mul3A_309 = arith.mulf %get3A_304, %get3A_308 : vector<1x16xf32>
      %add3A_310 = arith.addf %add3A_298, %mul3A_309 : vector<1x16xf32>
      %add3A_311 = arith.constant 6 : i32
      %add3A_312 = arith.addi %mul3A_47, %add3A_311 : i32
      %get3A_313 = arith.index_cast %add3A_312 : i32 to index
      %get3A_314 = arith.constant 32 : index
      %get3A_315 = tpu.vector_load %arg7[%get3A_313, %get3A_314] {strides = array<i32>} : memref<256x64xf32, #tpu.memory_space<vmem>>, vector<1x16xf32>,
      %get3A_316 = vector.shape_cast %get3A_315 : vector<1x16xf32> to vector<1x16xf32>
      %get3A_317 = arith.index_cast %add3A_45 : i32 to index
      %get3A_318 = arith.constant 416 : index
      %get3A_319 = tpu.vector_load %arg8[%get3A_317, %get3A_318] {strides = array<i32>} : memref<32x512xf32, #tpu.memory_space<vmem>>, vector<1x16xf32>,
      %get3A_320 = vector.shape_cast %get3A_319 : vector<1x16xf32> to vector<1x16xf32>
      %mul3A_321 = arith.mulf %get3A_316, %get3A_320 : vector<1x16xf32>
      %add3A_322 = arith.addf %add3A_310, %mul3A_321 : vector<1x16xf32>
      %add3A_323 = arith.constant 7 : i32
      %add3A_324 = arith.addi %mul3A_47, %add3A_323 : i32
      %get3A_325 = arith.index_cast %add3A_324 : i32 to index
      %get3A_326 = arith.constant 32 : index
      %get3A_327 = tpu.vector_load %arg7[%get3A_325, %get3A_326] {strides = array<i32>} : memref<256x64xf32, #tpu.memory_space<vmem>>, vector<1x16xf32>,
      %get3A_328 = vector.shape_cast %get3A_327 : vector<1x16xf32> to vector<1x16xf32>
      %get3A_329 = arith.index_cast %add3A_45 : i32 to index
      %get3A_330 = arith.constant 480 : index
      %get3A_331 = tpu.vector_load %arg8[%get3A_329, %get3A_330] {strides = array<i32>} : memref<32x512xf32, #tpu.memory_space<vmem>>, vector<1x16xf32>,
      %get3A_332 = vector.shape_cast %get3A_331 : vector<1x16xf32> to vector<1x16xf32>
      %mul3A_333 = arith.mulf %get3A_328, %get3A_332 : vector<1x16xf32>
      %add3A_334 = arith.addf %add3A_322, %mul3A_333 : vector<1x16xf32>
      %swap3A_335 = arith.index_cast %add3A_45 : i32 to index
      %swap3A_336 = arith.constant 32 : index
      %swap3A_337 = tpu.vector_load %arg9[%swap3A_335, %swap3A_336] {strides = array<i32>} : memref<32x64xf32, #tpu.memory_space<vmem>>, vector<1x16xf32>,
      %swap3A_338 = vector.shape_cast %swap3A_337 : vector<1x16xf32> to vector<1x16xf32>
      %swap3A_339 = vector.shape_cast %add3A_334 : vector<1x16xf32> to vector<1x16xf32>
      tpu.vector_store %arg9[%swap3A_335, %swap3A_336], %swap3A_339 {strides = array<i32>} : memref<32x64xf32, #tpu.memory_space<vmem>>, vector<1x16xf32>,
      %get3A_340 = arith.index_cast %mul3A_47 : i32 to index
      %get3A_341 = arith.constant 48 : index
      %get3A_342 = tpu.vector_load %arg7[%get3A_340, %get3A_341] {strides = array<i32>} : memref<256x64xf32, #tpu.memory_space<vmem>>, vector<1x16xf32>,
      %get3A_343 = vector.shape_cast %get3A_342 : vector<1x16xf32> to vector<1x16xf32>
      %get3A_344 = arith.index_cast %add3A_45 : i32 to index
      %get3A_345 = arith.constant 48 : index
      %get3A_346 = tpu.vector_load %arg8[%get3A_344, %get3A_345] {strides = array<i32>} : memref<32x512xf32, #tpu.memory_space<vmem>>, vector<1x16xf32>,
      %get3A_347 = vector.shape_cast %get3A_346 : vector<1x16xf32> to vector<1x16xf32>
      %mul3A_348 = arith.mulf %get3A_343, %get3A_347 : vector<1x16xf32>
      %add3A_349 = arith.constant 1 : i32
      %add3A_350 = arith.addi %mul3A_47, %add3A_349 : i32
      %get3A_351 = arith.index_cast %add3A_350 : i32 to index
      %get3A_352 = arith.constant 48 : index
      %get3A_353 = tpu.vector_load %arg7[%get3A_351, %get3A_352] {strides = array<i32>} : memref<256x64xf32, #tpu.memory_space<vmem>>, vector<1x16xf32>,
      %get3A_354 = vector.shape_cast %get3A_353 : vector<1x16xf32> to vector<1x16xf32>
      %get3A_355 = arith.index_cast %add3A_45 : i32 to index
      %get3A_356 = arith.constant 112 : index
      %get3A_357 = tpu.vector_load %arg8[%get3A_355, %get3A_356] {strides = array<i32>} : memref<32x512xf32, #tpu.memory_space<vmem>>, vector<1x16xf32>,
      %get3A_358 = vector.shape_cast %get3A_357 : vector<1x16xf32> to vector<1x16xf32>
      %mul3A_359 = arith.mulf %get3A_354, %get3A_358 : vector<1x16xf32>
      %add3A_360 = arith.addf %mul3A_348, %mul3A_359 : vector<1x16xf32>
      %add3A_361 = arith.constant 2 : i32
      %add3A_362 = arith.addi %mul3A_47, %add3A_361 : i32
      %get3A_363 = arith.index_cast %add3A_362 : i32 to index
      %get3A_364 = arith.constant 48 : index
      %get3A_365 = tpu.vector_load %arg7[%get3A_363, %get3A_364] {strides = array<i32>} : memref<256x64xf32, #tpu.memory_space<vmem>>, vector<1x16xf32>,
      %get3A_366 = vector.shape_cast %get3A_365 : vector<1x16xf32> to vector<1x16xf32>
      %get3A_367 = arith.index_cast %add3A_45 : i32 to index
      %get3A_368 = arith.constant 176 : index
      %get3A_369 = tpu.vector_load %arg8[%get3A_367, %get3A_368] {strides = array<i32>} : memref<32x512xf32, #tpu.memory_space<vmem>>, vector<1x16xf32>,
      %get3A_370 = vector.shape_cast %get3A_369 : vector<1x16xf32> to vector<1x16xf32>
      %mul3A_371 = arith.mulf %get3A_366, %get3A_370 : vector<1x16xf32>
      %add3A_372 = arith.addf %add3A_360, %mul3A_371 : vector<1x16xf32>
      %add3A_373 = arith.constant 3 : i32
      %add3A_374 = arith.addi %mul3A_47, %add3A_373 : i32
      %get3A_375 = arith.index_cast %add3A_374 : i32 to index
      %get3A_376 = arith.constant 48 : index
      %get3A_377 = tpu.vector_load %arg7[%get3A_375, %get3A_376] {strides = array<i32>} : memref<256x64xf32, #tpu.memory_space<vmem>>, vector<1x16xf32>,
      %get3A_378 = vector.shape_cast %get3A_377 : vector<1x16xf32> to vector<1x16xf32>
      %get3A_379 = arith.index_cast %add3A_45 : i32 to index
      %get3A_380 = arith.constant 240 : index
      %get3A_381 = tpu.vector_load %arg8[%get3A_379, %get3A_380] {strides = array<i32>} : memref<32x512xf32, #tpu.memory_space<vmem>>, vector<1x16xf32>,
      %get3A_382 = vector.shape_cast %get3A_381 : vector<1x16xf32> to vector<1x16xf32>
      %mul3A_383 = arith.mulf %get3A_378, %get3A_382 : vector<1x16xf32>
      %add3A_384 = arith.addf %add3A_372, %mul3A_383 : vector<1x16xf32>
      %add3A_385 = arith.constant 4 : i32
      %add3A_386 = arith.addi %mul3A_47, %add3A_385 : i32
      %get3A_387 = arith.index_cast %add3A_386 : i32 to index
      %get3A_388 = arith.constant 48 : index
      %get3A_389 = tpu.vector_load %arg7[%get3A_387, %get3A_388] {strides = array<i32>} : memref<256x64xf32, #tpu.memory_space<vmem>>, vector<1x16xf32>,
      %get3A_390 = vector.shape_cast %get3A_389 : vector<1x16xf32> to vector<1x16xf32>
      %get3A_391 = arith.index_cast %add3A_45 : i32 to index
      %get3A_392 = arith.constant 304 : index
      %get3A_393 = tpu.vector_load %arg8[%get3A_391, %get3A_392] {strides = array<i32>} : memref<32x512xf32, #tpu.memory_space<vmem>>, vector<1x16xf32>,
      %get3A_394 = vector.shape_cast %get3A_393 : vector<1x16xf32> to vector<1x16xf32>
      %mul3A_395 = arith.mulf %get3A_390, %get3A_394 : vector<1x16xf32>
      %add3A_396 = arith.addf %add3A_384, %mul3A_395 : vector<1x16xf32>
      %add3A_397 = arith.constant 5 : i32
      %add3A_398 = arith.addi %mul3A_47, %add3A_397 : i32
      %get3A_399 = arith.index_cast %add3A_398 : i32 to index
      %get3A_400 = arith.constant 48 : index
      %get3A_401 = tpu.vector_load %arg7[%get3A_399, %get3A_400] {strides = array<i32>} : memref<256x64xf32, #tpu.memory_space<vmem>>, vector<1x16xf32>,
      %get3A_402 = vector.shape_cast %get3A_401 : vector<1x16xf32> to vector<1x16xf32>
      %get3A_403 = arith.index_cast %add3A_45 : i32 to index
      %get3A_404 = arith.constant 368 : index
      %get3A_405 = tpu.vector_load %arg8[%get3A_403, %get3A_404] {strides = array<i32>} : memref<32x512xf32, #tpu.memory_space<vmem>>, vector<1x16xf32>,
      %get3A_406 = vector.shape_cast %get3A_405 : vector<1x16xf32> to vector<1x16xf32>
      %mul3A_407 = arith.mulf %get3A_402, %get3A_406 : vector<1x16xf32>
      %add3A_408 = arith.addf %add3A_396, %mul3A_407 : vector<1x16xf32>
      %add3A_409 = arith.constant 6 : i32
      %add3A_410 = arith.addi %mul3A_47, %add3A_409 : i32
      %get3A_411 = arith.index_cast %add3A_410 : i32 to index
      %get3A_412 = arith.constant 48 : index
      %get3A_413 = tpu.vector_load %arg7[%get3A_411, %get3A_412] {strides = array<i32>} : memref<256x64xf32, #tpu.memory_space<vmem>>, vector<1x16xf32>,
      %get3A_414 = vector.shape_cast %get3A_413 : vector<1x16xf32> to vector<1x16xf32>
      %get3A_415 = arith.index_cast %add3A_45 : i32 to index
      %get3A_416 = arith.constant 432 : index
      %get3A_417 = tpu.vector_load %arg8[%get3A_415, %get3A_416] {strides = array<i32>} : memref<32x512xf32, #tpu.memory_space<vmem>>, vector<1x16xf32>,
      %get3A_418 = vector.shape_cast %get3A_417 : vector<1x16xf32> to vector<1x16xf32>
      %mul3A_419 = arith.mulf %get3A_414, %get3A_418 : vector<1x16xf32>
      %add3A_420 = arith.addf %add3A_408, %mul3A_419 : vector<1x16xf32>
      %add3A_421 = arith.constant 7 : i32
      %add3A_422 = arith.addi %mul3A_47, %add3A_421 : i32
      %get3A_423 = arith.index_cast %add3A_422 : i32 to index
      %get3A_424 = arith.constant 48 : index
      %get3A_425 = tpu.vector_load %arg7[%get3A_423, %get3A_424] {strides = array<i32>} : memref<256x64xf32, #tpu.memory_space<vmem>>, vector<1x16xf32>,
      %get3A_426 = vector.shape_cast %get3A_425 : vector<1x16xf32> to vector<1x16xf32>
      %get3A_427 = arith.index_cast %add3A_45 : i32 to index
      %get3A_428 = arith.constant 496 : index
      %get3A_429 = tpu.vector_load %arg8[%get3A_427, %get3A_428] {strides = array<i32>} : memref<32x512xf32, #tpu.memory_space<vmem>>, vector<1x16xf32>,
      %get3A_430 = vector.shape_cast %get3A_429 : vector<1x16xf32> to vector<1x16xf32>
      %mul3A_431 = arith.mulf %get3A_426, %get3A_430 : vector<1x16xf32>
      %add3A_432 = arith.addf %add3A_420, %mul3A_431 : vector<1x16xf32>
      %swap3A_433 = arith.index_cast %add3A_45 : i32 to index
      %swap3A_434 = arith.constant 48 : index
      %swap3A_435 = tpu.vector_load %arg9[%swap3A_433, %swap3A_434] {strides = array<i32>} : memref<32x64xf32, #tpu.memory_space<vmem>>, vector<1x16xf32>,
      %swap3A_436 = vector.shape_cast %swap3A_435 : vector<1x16xf32> to vector<1x16xf32>
      %swap3A_437 = vector.shape_cast %add3A_432 : vector<1x16xf32> to vector<1x16xf32>
      tpu.vector_store %arg9[%swap3A_433, %swap3A_434], %swap3A_437 {strides = array<i32>} : memref<32x64xf32, #tpu.memory_space<vmem>>, vector<1x16xf32>,
    }
    %scan3A_38 = arith.constant 32 : i32
    %mul3A_39 = arith.constant 32 : i32
    %mul3A_40 = arith.muli %add3A, %mul3A_39 : i32
    "tpu.region"() ({
      %run_scoped3A = tpu.sem_alloc : memref<!tpu.dma_semaphore, #tpu.memory_space<semaphore_mem>>
      %dma_start3A_41 = arith.constant 0 : i32
      %dma_start3A_42 = tpu.memref_slice %arg5[%mul3A_40, %dma_start3A_41] : memref<1024x64xf32, #tpu.memory_space<hbm>> -> memref<32x64xf32, #tpu.memory_space<hbm>>
      %dma_start3A_43 = arith.constant 0 : i32
      %dma_start3A_44 = tpu.memref_slice %arg5[%mul3A_40, %dma_start3A_43] : memref<1024x64xf32, #tpu.memory_space<hbm>> -> memref<32x64xf32, #tpu.memory_space<hbm>>
      tpu.enqueue_dma source(%arg9 : memref<32x64xf32, #tpu.memory_space<vmem>>) target(%dma_start3A_44 : memref<32x64xf32, #tpu.memory_space<hbm>>) target_semaphore(%run_scoped3A : memref<!tpu.dma_semaphore, #tpu.memory_space<semaphore_mem>>)
      %dma_wait3A_45 = arith.constant 0 : i32
      %dma_wait3A_46 = tpu.memref_slice %arg5[%mul3A_40, %dma_wait3A_45] : memref<1024x64xf32, #tpu.memory_space<hbm>> -> memref<32x64xf32, #tpu.memory_space<hbm>>
      %dma_wait3A_47 = arith.constant 0 : i32
      %dma_wait3A_48 = tpu.memref_slice %arg5[%mul3A_40, %dma_wait3A_47] : memref<1024x64xf32, #tpu.memory_space<hbm>> -> memref<32x64xf32, #tpu.memory_space<hbm>>
      tpu.wait_dma2 semaphore(%run_scoped3A : memref<!tpu.dma_semaphore, #tpu.memory_space<semaphore_mem>>) src(%arg9 : memref<32x64xf32, #tpu.memory_space<vmem>>) dst(%dma_wait3A_48 : memref<32x64xf32, #tpu.memory_space<hbm>>)
      tpu.yield
    }) : () -> ()
    return
  }
}

module attributes {stable_mosaic.version = 14 : i64} {
  func.func @_topk_body(%arg0: i32, %arg1: memref<1024x64xf32, #tpu.memory_space<vmem>>, %arg2: memref<2048x64xf32, #tpu.memory_space<vmem>>, %arg3: memref<1024x512xf32, #tpu.memory_space<vmem>>, %arg4: memref<1024x8xi32, #tpu.memory_space<vmem>>, %arg5: memref<1024x8xf32, #tpu.memory_space<vmem>>, %arg6: memref<1024x8xi32, #tpu.memory_space<vmem>>) attributes {dimension_semantics = [#tpu.dimension_semantics<arbitrary>], iteration_bounds = array<i64: 49>, scalar_prefetch = 0 : i64, scratch_operands = 2 : i64, tpu.core_type = #tpu.core_type<tc>, window_params = [{pipeline_mode = #tpu.pipeline_mode<synchronous>, transform_indices = @transform_0, window_bounds = array<i64: 1024, 64>}, {transform_indices = @transform_1, window_bounds = array<i64: 2048, 64>}, {pipeline_mode = #tpu.pipeline_mode<synchronous>, transform_indices = @transform_2, window_bounds = array<i64: 1024, 512>}, {pipeline_mode = #tpu.pipeline_mode<synchronous>, transform_indices = @transform_3, window_bounds = array<i64: 1024, 8>}]} {
    %eq3A = arith.constant 0 : i32
    %eq3A_0 = arith.cmpi eq, %arg0, %eq3A : i32
    %convert_element_type3A = arith.extui %eq3A_0 : i1 to i32
    %cond3A = arith.constant 0 : i32
    %cond3A_1 = arith.cmpi ne, %convert_element_type3A, %cond3A : i32
    scf.if %cond3A_1 {
      %broadcast_in_dim3A_58 = arith.constant -3.000000e+38 : f32
      %broadcast_in_dim3A_59 = vector.broadcast %broadcast_in_dim3A_58 : f32 to vector<1024x8xf32>
      %swap3A_60 = arith.constant 0 : index
      %swap3A_61 = arith.constant 0 : index
      %swap3A_62 = vector.load %arg5[%swap3A_60, %swap3A_61] : memref<1024x8xf32, #tpu.memory_space<vmem>>, vector<1024x8xf32>
      tpu.vector_store %arg5[%swap3A_60, %swap3A_61], %broadcast_in_dim3A_59 {strides = array<i32>} : memref<1024x8xf32, #tpu.memory_space<vmem>>, vector<1024x8xf32>,
      %broadcast_in_dim3A_63 = arith.constant 0 : i32
      %broadcast_in_dim3A_64 = vector.broadcast %broadcast_in_dim3A_63 : i32 to vector<1024x8xi32>
      %swap3A_65 = arith.constant 0 : index
      %swap3A_66 = arith.constant 0 : index
      %swap3A_67 = vector.load %arg6[%swap3A_65, %swap3A_66] : memref<1024x8xi32, #tpu.memory_space<vmem>>, vector<1024x8xi32>
      tpu.vector_store %arg6[%swap3A_65, %swap3A_66], %broadcast_in_dim3A_64 {strides = array<i32>} : memref<1024x8xi32, #tpu.memory_space<vmem>>, vector<1024x8xi32>,
    } else {
    }
    %mul3A = arith.constant 2048 : i32
    %mul3A_2 = arith.muli %arg0, %mul3A : i32
    %get3A = arith.constant 0 : index
    %get3A_3 = arith.constant 0 : index
    %get3A_4 = vector.load %arg1[%get3A, %get3A_3] : memref<1024x64xf32, #tpu.memory_space<vmem>>, vector<1024x64xf32>
    %mul3A_5 = arith.mulf %get3A_4, %get3A_4 : vector<1024x64xf32>
    %reduce_sum3A = arith.constant dense<0.000000e+00> : vector<1024xf32>
    %reduce_sum3A_6 = vector.multi_reduction <add>, %mul3A_5, %reduce_sum3A [1] : vector<1024x64xf32> to vector<1024xf32>
    %broadcast_in_dim3A = vector.shape_cast %reduce_sum3A_6 : vector<1024xf32> to vector<1024x1xf32>
    %sqrt3A = math.sqrt %broadcast_in_dim3A : vector<1024x1xf32>
    %max3A = arith.constant 9.99999996E-13 : f32
    %max3A_7 = vector.broadcast %max3A : f32 to vector<1024x1xf32>
    %max3A_8 = arith.maximumf %sqrt3A, %max3A_7 : vector<1024x1xf32>
    %div3A = vector.broadcast %max3A_8 : vector<1024x1xf32> to vector<1024x64xf32>
    %div3A_9 = arith.divf %get3A_4, %div3A : vector<1024x64xf32>
    %get3A_10 = arith.constant 0 : index
    %get3A_11 = arith.constant 0 : index
    %get3A_12 = vector.load %arg2[%get3A_10, %get3A_11] : memref<2048x64xf32, #tpu.memory_space<vmem>>, vector<2048x64xf32>
    %mul3A_13 = arith.mulf %get3A_12, %get3A_12 : vector<2048x64xf32>
    %reduce_sum3A_14 = arith.constant dense<0.000000e+00> : vector<2048xf32>
    %reduce_sum3A_15 = vector.multi_reduction <add>, %mul3A_13, %reduce_sum3A_14 [1] : vector<2048x64xf32> to vector<2048xf32>
    %broadcast_in_dim3A_16 = vector.shape_cast %reduce_sum3A_15 : vector<2048xf32> to vector<2048x1xf32>
    %sqrt3A_17 = math.sqrt %broadcast_in_dim3A_16 : vector<2048x1xf32>
    %max3A_18 = arith.constant 9.99999996E-13 : f32
    %max3A_19 = vector.broadcast %max3A_18 : f32 to vector<2048x1xf32>
    %max3A_20 = arith.maximumf %sqrt3A_17, %max3A_19 : vector<2048x1xf32>
    %div3A_21 = vector.broadcast %max3A_20 : vector<2048x1xf32> to vector<2048x64xf32>
    %div3A_22 = arith.divf %get3A_12, %div3A_21 : vector<2048x64xf32>
    %iota3A = tpu.iota {dimensions = array<i32: 0>} : vector<2048x1xi32>
    %add3A = vector.broadcast %mul3A_2 : i32 to vector<2048x1xi32>
    %add3A_23 = arith.addi %iota3A, %add3A : vector<2048x1xi32>
    %lt3A = arith.constant 100000 : i32
    %lt3A_24 = vector.broadcast %lt3A : i32 to vector<2048x1xi32>
    %lt3A_25 = arith.cmpi slt, %add3A_23, %lt3A_24 : vector<2048x1xi32>
    %jit3A = arith.constant 0.000000e+00 : f32
    %broadcast_in_dim3A_26 = vector.shape_cast %lt3A_25 : vector<2048x1xi1> to vector<2048x1xi1>
    %broadcast_in_dim3A_27 = vector.broadcast %broadcast_in_dim3A_26 : vector<2048x1xi1> to vector<2048x64xi1>
    %broadcast_in_dim3A_28 = vector.broadcast %jit3A : f32 to vector<2048x64xf32>
    %select_n3A = arith.select %broadcast_in_dim3A_27, %div3A_22, %broadcast_in_dim3A_28 : vector<2048x64xi1>, vector<2048x64xf32>
    %jit3A_29 = arith.constant 0.000000e+00 : f32
    %jit3A_30 = arith.constant -4.000000e+00 : f32
    %broadcast_in_dim3A_31 = vector.broadcast %jit3A_29 : f32 to vector<2048x1xf32>
    %broadcast_in_dim3A_32 = vector.broadcast %jit3A_30 : f32 to vector<2048x1xf32>
    %select_n3A_33 = arith.select %lt3A_25, %broadcast_in_dim3A_31, %broadcast_in_dim3A_32 : vector<2048x1xi1>, vector<2048x1xf32>
    %concatenate3A = tpu.concatenate %select_n3A, %select_n3A_33 in 1 : vector<2048x64xf32>, vector<2048x1xf32> -> vector<2048x65xf32>
    %broadcast_in_dim3A_34 = arith.constant 1.000000e+00 : f32
    %broadcast_in_dim3A_35 = vector.broadcast %broadcast_in_dim3A_34 : f32 to vector<1024x1xf32>
    %concatenate3A_36 = tpu.concatenate %div3A_9, %broadcast_in_dim3A_35 in 1 : vector<1024x64xf32>, vector<1024x1xf32> -> vector<1024x65xf32>
    %dot_general3A = arith.constant dense<0.000000e+00> : vector<1024x2048xf32>
    %dot_general3A_37 = tpu.matmul %concatenate3A_36, %concatenate3A, %dot_general3A {dimension_numbers = #tpu.dot_dimension_numbers<[1], [1], [0], [0], [0, 0, 1, 0], [], []>, transpose_lhs_hint = false} : vector<1024x65xf32>, vector<2048x65xf32>, vector<1024x2048xf32> -> vector<1024x2048xf32>
    %iota3A_38 = tpu.iota {dimensions = array<i32: 1>} : vector<1024x2048xi32>
    %iota3A_39 = tpu.iota {dimensions = array<i32: 1>} : vector<1024x8xi32>
    %reduce_max3A = arith.constant dense<0xFF800000> : vector<1024xf32>
    %reduce_max3A_40 = vector.multi_reduction <maximumf>, %dot_general3A_37, %reduce_max3A [1] : vector<1024x2048xf32> to vector<1024xf32>
    %broadcast_in_dim3A_41 = vector.shape_cast %reduce_max3A_40 : vector<1024xf32> to vector<1024x1xf32>
    %get3A_42 = arith.constant 0 : index
    %get3A_43 = arith.constant 0 : index
    %get3A_44 = vector.load %arg5[%get3A_42, %get3A_43] : memref<1024x8xf32, #tpu.memory_space<vmem>>, vector<1024x8xf32>
    %get3A_45 = arith.constant 0 : index
    %get3A_46 = arith.constant 0 : index
    %get3A_47 = vector.load %arg6[%get3A_45, %get3A_46] : memref<1024x8xi32, #tpu.memory_space<vmem>>, vector<1024x8xi32>
    %while3A:4 = scf.while (%while3A_58 = %dot_general3A_37, %while3A_59 = %broadcast_in_dim3A_41, %while3A_60 = %get3A_44, %while3A_61 = %get3A_47) : (vector<1024x2048xf32>, vector<1024x1xf32>, vector<1024x8xf32>, vector<1024x8xi32>) -> (vector<1024x2048xf32>, vector<1024x1xf32>, vector<1024x8xf32>, vector<1024x8xi32>) {
      %slice3A = vector.extract_strided_slice %while3A_60 {offsets = [0, 7], sizes = [1024, 1], strides = [1, 1]} : vector<1024x8xf32> to vector<1024x1xf32>
      %ge3A = arith.cmpf oge, %while3A_59, %slice3A : vector<1024x1xf32>
      %reduce_or3A = arith.constant 1.000000e+00 : f32
      %reduce_or3A_62 = arith.constant 0.000000e+00 : f32
      %reduce_or3A_63 = vector.broadcast %reduce_or3A : f32 to vector<1024x1xf32>
      %reduce_or3A_64 = vector.broadcast %reduce_or3A_62 : f32 to vector<1024x1xf32>
      %reduce_or3A_65 = arith.select %ge3A, %reduce_or3A_63, %reduce_or3A_64 : vector<1024x1xi1>, vector<1024x1xf32>
      %reduce_or3A_66 = vector.shape_cast %reduce_or3A_65 : vector<1024x1xf32> to vector<1x1024x1xf32>
      %reduce_or3A_67 = arith.constant dense<0xFF800000> : vector<1xf32>
      %reduce_or3A_68 = vector.multi_reduction <maximumf>, %reduce_or3A_66, %reduce_or3A_67 [1, 2] : vector<1x1024x1xf32> to vector<1xf32>
      %reduce_or3A_69 = vector.shape_cast %reduce_or3A_68 : vector<1xf32> to vector<1x1x1xf32>
      %reduce_or3A_70 = vector.extract %reduce_or3A_69[0, 0, 0] : f32 from vector<1x1x1xf32>
      %reduce_or3A_71 = arith.constant 0.000000e+00 : f32
      %reduce_or3A_72 = arith.cmpf ogt, %reduce_or3A_70, %reduce_or3A_71 : f32
      scf.condition(%reduce_or3A_72) %while3A_58, %while3A_59, %while3A_60, %while3A_61 : vector<1024x2048xf32>, vector<1024x1xf32>, vector<1024x8xf32>, vector<1024x8xi32>
    } do {
    ^bb0(%while3A_58: vector<1024x2048xf32>, %while3A_59: vector<1024x1xf32>, %while3A_60: vector<1024x8xf32>, %while3A_61: vector<1024x8xi32>):
      %eq3A_62 = vector.broadcast %while3A_59 : vector<1024x1xf32> to vector<1024x2048xf32>
      %eq3A_63 = arith.cmpf oeq, %while3A_58, %eq3A_62 : vector<1024x2048xf32>
      %jit3A_64 = arith.constant 2048 : i32
      %broadcast_in_dim3A_65 = vector.broadcast %jit3A_64 : i32 to vector<1024x2048xi32>
      %select_n3A_66 = arith.select %eq3A_63, %iota3A_38, %broadcast_in_dim3A_65 : vector<1024x2048xi1>, vector<1024x2048xi32>
      %reduce_min3A = arith.constant dense<2147483647> : vector<1024xi32>
      %reduce_min3A_67 = vector.multi_reduction <minsi>, %select_n3A_66, %reduce_min3A [1] : vector<1024x2048xi32> to vector<1024xi32>
      %broadcast_in_dim3A_68 = vector.shape_cast %reduce_min3A_67 : vector<1024xi32> to vector<1024x1xi32>
      %add3A_69 = vector.broadcast %mul3A_2 : i32 to vector<1024x1xi32>
      %add3A_70 = arith.addi %broadcast_in_dim3A_68, %add3A_69 : vector<1024x1xi32>
      %ge3A = vector.broadcast %while3A_59 : vector<1024x1xf32> to vector<1024x8xf32>
      %ge3A_71 = arith.cmpf oge, %while3A_60, %ge3A : vector<1024x8xf32>
      %convert_element_type3A_72 = arith.extui %ge3A_71 : vector<1024x8xi1> to vector<1024x8xi32>
      %reduce_sum3A_73 = arith.constant dense<0> : vector<1024xi32>
      %reduce_sum3A_74 = vector.multi_reduction <add>, %convert_element_type3A_72, %reduce_sum3A_73 [1] : vector<1024x8xi32> to vector<1024xi32>
      %broadcast_in_dim3A_75 = vector.shape_cast %reduce_sum3A_74 : vector<1024xi32> to vector<1024x1xi32>
      %slice3A = vector.extract_strided_slice %while3A_60 {offsets = [0, 0], sizes = [1024, 1], strides = [1, 1]} : vector<1024x8xf32> to vector<1024x1xf32>
      %slice3A_76 = vector.extract_strided_slice %while3A_60 {offsets = [0, 0], sizes = [1024, 7], strides = [1, 1]} : vector<1024x8xf32> to vector<1024x7xf32>
      %concatenate3A_77 = tpu.concatenate %slice3A, %slice3A_76 in 1 : vector<1024x1xf32>, vector<1024x7xf32> -> vector<1024x8xf32>
      %slice3A_78 = vector.extract_strided_slice %while3A_61 {offsets = [0, 0], sizes = [1024, 1], strides = [1, 1]} : vector<1024x8xi32> to vector<1024x1xi32>
      %slice3A_79 = vector.extract_strided_slice %while3A_61 {offsets = [0, 0], sizes = [1024, 7], strides = [1, 1]} : vector<1024x8xi32> to vector<1024x7xi32>
      %concatenate3A_80 = tpu.concatenate %slice3A_78, %slice3A_79 in 1 : vector<1024x1xi32>, vector<1024x7xi32> -> vector<1024x8xi32>
      %lt3A_81 = vector.broadcast %broadcast_in_dim3A_75 : vector<1024x1xi32> to vector<1024x8xi32>
      %lt3A_82 = arith.cmpi slt, %iota3A_39, %lt3A_81 : vector<1024x8xi32>
      %eq3A_83 = vector.broadcast %broadcast_in_dim3A_75 : vector<1024x1xi32> to vector<1024x8xi32>
      %eq3A_84 = arith.cmpi eq, %iota3A_39, %eq3A_83 : vector<1024x8xi32>
      %broadcast_in_dim3A_85 = vector.shape_cast %while3A_59 : vector<1024x1xf32> to vector<1024x1xf32>
      %broadcast_in_dim3A_86 = vector.broadcast %broadcast_in_dim3A_85 : vector<1024x1xf32> to vector<1024x8xf32>
      %select_n3A_87 = arith.select %eq3A_84, %broadcast_in_dim3A_86, %concatenate3A_77 : vector<1024x8xi1>, vector<1024x8xf32>
      %select_n3A_88 = arith.select %lt3A_82, %while3A_60, %select_n3A_87 : vector<1024x8xi1>, vector<1024x8xf32>
      %lt3A_89 = vector.broadcast %broadcast_in_dim3A_75 : vector<1024x1xi32> to vector<1024x8xi32>
      %lt3A_90 = arith.cmpi slt, %iota3A_39, %lt3A_89 : vector<1024x8xi32>
      %eq3A_91 = vector.broadcast %broadcast_in_dim3A_75 : vector<1024x1xi32> to vector<1024x8xi32>
      %eq3A_92 = arith.cmpi eq, %iota3A_39, %eq3A_91 : vector<1024x8xi32>
      %broadcast_in_dim3A_93 = vector.shape_cast %add3A_70 : vector<1024x1xi32> to vector<1024x1xi32>
      %broadcast_in_dim3A_94 = vector.broadcast %broadcast_in_dim3A_93 : vector<1024x1xi32> to vector<1024x8xi32>
      %select_n3A_95 = arith.select %eq3A_92, %broadcast_in_dim3A_94, %concatenate3A_80 : vector<1024x8xi1>, vector<1024x8xi32>
      %select_n3A_96 = arith.select %lt3A_90, %while3A_61, %select_n3A_95 : vector<1024x8xi1>, vector<1024x8xi32>
      %eq3A_97 = vector.broadcast %broadcast_in_dim3A_68 : vector<1024x1xi32> to vector<1024x2048xi32>
      %eq3A_98 = arith.cmpi eq, %iota3A_38, %eq3A_97 : vector<1024x2048xi32>
      %jit3A_99 = arith.constant -3.000000e+38 : f32
      %broadcast_in_dim3A_100 = vector.broadcast %jit3A_99 : f32 to vector<1024x2048xf32>
      %select_n3A_101 = arith.select %eq3A_98, %broadcast_in_dim3A_100, %while3A_58 : vector<1024x2048xi1>, vector<1024x2048xf32>
      %reduce_max3A_102 = arith.constant dense<0xFF800000> : vector<1024xf32>
      %reduce_max3A_103 = vector.multi_reduction <maximumf>, %select_n3A_101, %reduce_max3A_102 [1] : vector<1024x2048xf32> to vector<1024xf32>
      %broadcast_in_dim3A_104 = vector.shape_cast %reduce_max3A_103 : vector<1024xf32> to vector<1024x1xf32>
      scf.yield %select_n3A_101, %broadcast_in_dim3A_104, %select_n3A_88, %select_n3A_96 : vector<1024x2048xf32>, vector<1024x1xf32>, vector<1024x8xf32>, vector<1024x8xi32>
    }
    %swap3A = arith.constant 0 : index
    %swap3A_48 = arith.constant 0 : index
    %swap3A_49 = vector.load %arg5[%swap3A, %swap3A_48] : memref<1024x8xf32, #tpu.memory_space<vmem>>, vector<1024x8xf32>
    tpu.vector_store %arg5[%swap3A, %swap3A_48], %while3A#2 {strides = array<i32>} : memref<1024x8xf32, #tpu.memory_space<vmem>>, vector<1024x8xf32>,
    %swap3A_50 = arith.constant 0 : index
    %swap3A_51 = arith.constant 0 : index
    %swap3A_52 = vector.load %arg6[%swap3A_50, %swap3A_51] : memref<1024x8xi32, #tpu.memory_space<vmem>>, vector<1024x8xi32>
    tpu.vector_store %arg6[%swap3A_50, %swap3A_51], %while3A#3 {strides = array<i32>} : memref<1024x8xi32, #tpu.memory_space<vmem>>, vector<1024x8xi32>,
    %eq3A_53 = arith.constant 48 : i32
    %eq3A_54 = arith.cmpi eq, %arg0, %eq3A_53 : i32
    %convert_element_type3A_55 = arith.extui %eq3A_54 : i1 to i32
    %cond3A_56 = arith.constant 0 : i32
    %cond3A_57 = arith.cmpi ne, %convert_element_type3A_55, %cond3A_56 : i32
    scf.if %cond3A_57 {
      %get3A_58 = arith.constant 0 : index
      %get3A_59 = arith.constant 0 : index
      %get3A_60 = vector.load %arg5[%get3A_58, %get3A_59] : memref<1024x8xf32, #tpu.memory_space<vmem>>, vector<1024x8xf32>
      %slice3A = vector.extract_strided_slice %get3A_60 {offsets = [0, 0], sizes = [1024, 1], strides = [1, 1]} : vector<1024x8xf32> to vector<1024x1xf32>
      %sub3A = vector.broadcast %slice3A : vector<1024x1xf32> to vector<1024x8xf32>
      %sub3A_61 = arith.subf %get3A_60, %sub3A : vector<1024x8xf32>
      %exp3A = math.exp %sub3A_61 : vector<1024x8xf32>
      %reduce_sum3A_62 = arith.constant dense<0.000000e+00> : vector<1024xf32>
      %reduce_sum3A_63 = vector.multi_reduction <add>, %exp3A, %reduce_sum3A_62 [1] : vector<1024x8xf32> to vector<1024xf32>
      %broadcast_in_dim3A_64 = vector.shape_cast %reduce_sum3A_63 : vector<1024xf32> to vector<1024x1xf32>
      %div3A_65 = vector.broadcast %broadcast_in_dim3A_64 : vector<1024x1xf32> to vector<1024x8xf32>
      %div3A_66 = arith.divf %exp3A, %div3A_65 : vector<1024x8xf32>
      %slice3A_67 = vector.extract_strided_slice %div3A_66 {offsets = [0, 0], sizes = [1024, 1], strides = [1, 1]} : vector<1024x8xf32> to vector<1024x1xf32>
      %broadcast_in_dim3A_68 = vector.shape_cast %slice3A_67 : vector<1024x1xf32> to vector<1024x1xf32>
      %broadcast_in_dim3A_69 = vector.broadcast %broadcast_in_dim3A_68 : vector<1024x1xf32> to vector<1024x64xf32>
      %slice3A_70 = vector.extract_strided_slice %div3A_66 {offsets = [0, 1], sizes = [1024, 1], strides = [1, 1]} : vector<1024x8xf32> to vector<1024x1xf32>
      %broadcast_in_dim3A_71 = vector.shape_cast %slice3A_70 : vector<1024x1xf32> to vector<1024x1xf32>
      %broadcast_in_dim3A_72 = vector.broadcast %broadcast_in_dim3A_71 : vector<1024x1xf32> to vector<1024x64xf32>
      %slice3A_73 = vector.extract_strided_slice %div3A_66 {offsets = [0, 2], sizes = [1024, 1], strides = [1, 1]} : vector<1024x8xf32> to vector<1024x1xf32>
      %broadcast_in_dim3A_74 = vector.shape_cast %slice3A_73 : vector<1024x1xf32> to vector<1024x1xf32>
      %broadcast_in_dim3A_75 = vector.broadcast %broadcast_in_dim3A_74 : vector<1024x1xf32> to vector<1024x64xf32>
      %slice3A_76 = vector.extract_strided_slice %div3A_66 {offsets = [0, 3], sizes = [1024, 1], strides = [1, 1]} : vector<1024x8xf32> to vector<1024x1xf32>
      %broadcast_in_dim3A_77 = vector.shape_cast %slice3A_76 : vector<1024x1xf32> to vector<1024x1xf32>
      %broadcast_in_dim3A_78 = vector.broadcast %broadcast_in_dim3A_77 : vector<1024x1xf32> to vector<1024x64xf32>
      %slice3A_79 = vector.extract_strided_slice %div3A_66 {offsets = [0, 4], sizes = [1024, 1], strides = [1, 1]} : vector<1024x8xf32> to vector<1024x1xf32>
      %broadcast_in_dim3A_80 = vector.shape_cast %slice3A_79 : vector<1024x1xf32> to vector<1024x1xf32>
      %broadcast_in_dim3A_81 = vector.broadcast %broadcast_in_dim3A_80 : vector<1024x1xf32> to vector<1024x64xf32>
      %slice3A_82 = vector.extract_strided_slice %div3A_66 {offsets = [0, 5], sizes = [1024, 1], strides = [1, 1]} : vector<1024x8xf32> to vector<1024x1xf32>
      %broadcast_in_dim3A_83 = vector.shape_cast %slice3A_82 : vector<1024x1xf32> to vector<1024x1xf32>
      %broadcast_in_dim3A_84 = vector.broadcast %broadcast_in_dim3A_83 : vector<1024x1xf32> to vector<1024x64xf32>
      %slice3A_85 = vector.extract_strided_slice %div3A_66 {offsets = [0, 6], sizes = [1024, 1], strides = [1, 1]} : vector<1024x8xf32> to vector<1024x1xf32>
      %broadcast_in_dim3A_86 = vector.shape_cast %slice3A_85 : vector<1024x1xf32> to vector<1024x1xf32>
      %broadcast_in_dim3A_87 = vector.broadcast %broadcast_in_dim3A_86 : vector<1024x1xf32> to vector<1024x64xf32>
      %slice3A_88 = vector.extract_strided_slice %div3A_66 {offsets = [0, 7], sizes = [1024, 1], strides = [1, 1]} : vector<1024x8xf32> to vector<1024x1xf32>
      %broadcast_in_dim3A_89 = vector.shape_cast %slice3A_88 : vector<1024x1xf32> to vector<1024x1xf32>
      %broadcast_in_dim3A_90 = vector.broadcast %broadcast_in_dim3A_89 : vector<1024x1xf32> to vector<1024x64xf32>
      %concatenate3A_91 = tpu.concatenate %broadcast_in_dim3A_69, %broadcast_in_dim3A_72, %broadcast_in_dim3A_75, %broadcast_in_dim3A_78, %broadcast_in_dim3A_81, %broadcast_in_dim3A_84, %broadcast_in_dim3A_87, %broadcast_in_dim3A_90 in 1 : vector<1024x64xf32>, vector<1024x64xf32>, vector<1024x64xf32>, vector<1024x64xf32>, vector<1024x64xf32>, vector<1024x64xf32>, vector<1024x64xf32>, vector<1024x64xf32> -> vector<1024x512xf32>
      %swap3A_92 = arith.constant 0 : index
      %swap3A_93 = arith.constant 0 : index
      %swap3A_94 = vector.load %arg3[%swap3A_92, %swap3A_93] : memref<1024x512xf32, #tpu.memory_space<vmem>>, vector<1024x512xf32>
      tpu.vector_store %arg3[%swap3A_92, %swap3A_93], %concatenate3A_91 {strides = array<i32>} : memref<1024x512xf32, #tpu.memory_space<vmem>>, vector<1024x512xf32>,
      %get3A_95 = arith.constant 0 : index
      %get3A_96 = arith.constant 0 : index
      %get3A_97 = vector.load %arg6[%get3A_95, %get3A_96] : memref<1024x8xi32, #tpu.memory_space<vmem>>, vector<1024x8xi32>
      %swap3A_98 = arith.constant 0 : index
      %swap3A_99 = arith.constant 0 : index
      %swap3A_100 = vector.load %arg4[%swap3A_98, %swap3A_99] : memref<1024x8xi32, #tpu.memory_space<vmem>>, vector<1024x8xi32>
      tpu.vector_store %arg4[%swap3A_98, %swap3A_99], %get3A_97 {strides = array<i32>} : memref<1024x8xi32, #tpu.memory_space<vmem>>, vector<1024x8xi32>,
    } else {
    }
    return
  }
  func.func @transform_0(%arg0: i32) -> (i32, i32) {
    %c0_i32 = arith.constant 0 : i32
    %c0_i32_0 = arith.constant 0 : i32
    %c0_i32_1 = arith.constant 0 : i32
    return %c0_i32, %c0_i32_0 : i32, i32
  }
  func.func @transform_1(%arg0: i32) -> (i32, i32) {
    %c0_i32 = arith.constant 0 : i32
    %c0_i32_0 = arith.constant 0 : i32
    return %arg0, %c0_i32 : i32, i32
  }
  func.func @transform_2(%arg0: i32) -> (i32, i32) {
    %c0_i32 = arith.constant 0 : i32
    %c0_i32_0 = arith.constant 0 : i32
    %c0_i32_1 = arith.constant 0 : i32
    return %c0_i32, %c0_i32_0 : i32, i32
  }
  func.func @transform_3(%arg0: i32) -> (i32, i32) {
    %c0_i32 = arith.constant 0 : i32
    %c0_i32_0 = arith.constant 0 : i32
    %c0_i32_1 = arith.constant 0 : i32
    return %c0_i32, %c0_i32_0 : i32, i32
  }
}

</mosaic_0001>

<sc_bundles>
// kernel: kernel.4.cloned.1.call-start
scs
__scs_entry_jumppad:
0x0: {  	(pc) =	sbr.rel $0x88, $3  }
0x1: {  	(tag) =	ssettag $0x0;
	lr =	simm.s32 $0x1  }
0x2: {  	[smem:$0x3F9E] =	sst lr;
	_ =	strace $0xD0000000  }
0x3: {  	_ = 	snop  }
0x4: {  	_ = 	snop  }
0x5: {  	_ = 	snop  }
0x6: {  	_ = 	snop  }
0x7: {  	_ = 	snop  }
__scs_overlays_trampoline_lowered:
0x8: {  	[smem:$0x3FAD] =	sst s0  }
0x9: {  	[smem:$0x3FAE] =	sst s1  }
0xa: {  	[smem:$0x3FAF] =	sst s2  }
0xb: {  	[smem:$0x3FB0] =	sst s3  }
0xc: {  	[smem:$0x3FB1] =	sst s4  }
0xd: {  	[smem:$0x3FB2] =	sst s5  }
0xe: {  	[smem:$0x3FB3] =	sst s6  }
0xf: {  	[smem:$0x3FB4] =	sst s7  }
0x10: {  	[smem:$0x3FB5] =	sst s8  }
0x11: {  	[smem:$0x3FB6] =	sst s9;
	s0 =	simm.s32 @!p0 $0x0  }
0x12: {  	s1 =	sld [smem:$0x3F9C];
	s0 =	simm.s32 @p0 $0x1  }
0x13: {  	[smem:$0x3FB7] =	sst s0;
	s0 =	simm.s32 @!p1 $0x0  }
0x14: {  	s2 =	sld [smem:$0x3F9B];
	s0 =	simm.s32 @p1 $0x1  }
0x15: {  	[smem:$0x3FB8] =	sst s0;
	s0 =	simm.s32 @!p2 $0x0  }
0x16: {  	s3 =	sld [smem:$0x3FDB];
	s0 =	simm.s32 @p2 $0x1  }
0x17: {  	s4 =	simm.s32 $0x1BF5;
	[smem:$0x3FBA] =	sst s0  }
0x18: {  	s0 =	sld [smem:$0x3F9D];
	_ =	swait.ge [sflag:s4], $0x0  }
0x19: {  	s7 =	sld [smem:$0x3F9E]  }
0x1a: {  	s8 =	sadd.s32 $0xFFFFE003, lr  }
0x1b: {  	s9 =	sadd.s32 $0xFFFFFEF7, lr;
	s5 =	simm.s32 $0xFFFFFFFF;
	p2 =	slt.u32 s8, $0xFFFFF086  }
0x1c: {  	p1 =	slt.u32 s9, $0xF7A;
	s5 =	simm.s32 @!p2 $0x0  }
0x1d: {  	s5 =	simm.s32 @p1 $0x1;
	p0 =	seq.s32 s7, s2  }
0x1e: {  	s7 =	smul.u32 @!p0 $0xF7A, s2;
	p2 =	seq.s32 @!p0 s5, $0x0  }
0x1f: {  	s9 =	smul.u32 $0xF7A, s1;
	s8 =	simm.s32 @!p0 $0x1BF5;
	p2 =	por !p2, p0  }
0x20: {  	[sflag:s8] =	ssyncset.s32 @!p0 $0xFFFFF086;
	s6 =	sadd.s32 @!p0 s3, s7;
	s7 =	simm.s32 @!p0 $0x108  }
0x21: {  	s3 =	sadd.s32 s3, s9;
	s6 =	sadd.s32 @!p0 $0x88, s6;
	s7 =	simm.s32 @p2 $0x1082  }
0x22: {  	[simem:s7], [sflag:s8] =	dma.local @!p0 [hbm:s6], $0xF7A  }
0x23: {  	s9 =	sor.u32 $0xD0000000, s2;
	s6 =	simm.s32 $0x108;
	_ =	swait.ge @!p0 [sflag:s8], $0x0  }
0x24: {  	s3 =	sadd.s32 $0x88, s3;
	s6 =	simm.s32 @!p1 $0x1082;
	[sflag:s4] =	ssyncset.s32 $0xFFFFF086  }
0x25: {  	[simem:s6], [sflag:s4] =	dma.local [hbm:s3], $0xF7A  }
0x26: {  	[smem:$0x3F9E] =	sst s1;
	(tag) =	ssettag s2;
	_ =	strace s9  }
0x27: {  	s1 =	sld [smem:$0x3FAE]  }
0x28: {  	s2 =	sld [smem:$0x3FAF]  }
0x29: {  	s4 =	sld [smem:$0x3FB1]  }
0x2a: {  	p0 =	seq.s32 s5, $0x0;
	s5 =	sld [smem:$0x3FB2]  }
0x2b: {  	s6 =	sld [smem:$0x3FB3]  }
0x2c: {  	s7 =	sld [smem:$0x3FB4]  }
0x2d: {  	s3 =	simm.s32 $0x108;
	s8 =	sld [smem:$0x3FB5]  }
0x2e: {  	s3 =	simm.s32 @!p0 $0x1082;
	s9 =	sld [smem:$0x3FB6]  }
0x2f: {  	lr =	sadd.s32 s0, s3;
	s0 =	sld [smem:$0x3FAD]  }
0x30: {  	s3 =	sld [smem:$0x3FB0]  }
0x31: {  	[smem:$0x3FB9] =	sst s10  }
0x32: {  	s10 =	sld [smem:$0x3FB7];
	_ =	sdelay $0x3  }
0x33: {  	p0 =	seq.s32 s10, $0x1;
	s10 =	sld [smem:$0x3FB9];
	_ =	sdelay $0x3  }
0x34: {  	[smem:$0x3FB9] =	sst s10  }
0x35: {  	s10 =	sld [smem:$0x3FB8];
	_ =	sdelay $0x3  }
0x36: {  	p1 =	seq.s32 s10, $0x1;
	s10 =	sld [smem:$0x3FB9];
	_ =	sdelay $0x3  }
0x37: {  	[smem:$0x3FB9] =	sst s10  }
0x38: {  	s10 =	sld [smem:$0x3FBA]  }
0x39: {  	_ = 	snop;
	(pc) =	sbr.ind lr, $3  }
0x3a: {  	_ = 	snop  }
0x3b: {  	_ = 	snop  }
0x3c: {  	p2 =	seq.s32 s10, $0x1;
	s10 =	sld [smem:$0x3FB9]  }
0x3d: {  	_ =	shalt  }
0x3e: {  	_ =	shalt  }
0x3f: {  	_ =	shalt  }
0x40: {  	_ =	shalt  }
0x41: {  	_ =	shalt  }
0x42: {  	_ =	shalt  }
0x43: {  	_ =	shalt  }
0x44: {  	_ =	shalt  }
0x45: {  	_ =	shalt  }
0x46: {  	_ =	shalt  }
0x47: {  	_ =	shalt  }
0x48: {  	_ =	shalt  }
0x49: {  	_ =	shalt  }
0x4a: {  	_ =	shalt  }
0x4b: {  	_ =	shalt  }
0x4c: {  	_ =	shalt  }
0x4d: {  	_ =	shalt  }
0x4e: {  	_ =	shalt  }
0x4f: {  	_ =	shalt  }
0x50: {  	_ =	shalt  }
0x51: {  	_ =	shalt  }
0x52: {  	_ =	shalt  }
0x53: {  	_ =	shalt  }
0x54: {  	_ =	shalt  }
0x55: {  	_ =	shalt  }
0x56: {  	_ =	shalt  }
0x57: {  	_ =	shalt  }
0x58: {  	_ =	shalt  }
0x59: {  	_ =	shalt  }
0x5a: {  	_ =	shalt  }
0x5b: {  	_ =	shalt  }
0x5c: {  	_ =	shalt  }
0x5d: {  	_ =	shalt  }
0x5e: {  	_ =	shalt  }
0x5f: {  	_ =	shalt  }
0x60: {  	_ =	shalt  }
0x61: {  	_ =	shalt  }
0x62: {  	_ =	shalt  }
0x63: {  	_ =	shalt  }
0x64: {  	_ =	shalt  }
0x65: {  	_ =	shalt  }
0x66: {  	_ =	shalt  }
0x67: {  	_ =	shalt  }
0x68: {  	_ =	shalt  }
0x69: {  	_ =	shalt  }
0x6a: {  	_ =	shalt  }
0x6b: {  	_ =	shalt  }
0x6c: {  	_ =	shalt  }
0x6d: {  	_ =	shalt  }
0x6e: {  	_ =	shalt  }
0x6f: {  	_ =	shalt  }
0x70: {  	_ =	shalt  }
0x71: {  	_ =	shalt  }
0x72: {  	_ =	shalt  }
0x73: {  	_ =	shalt  }
0x74: {  	_ =	shalt  }
0x75: {  	_ =	shalt  }
0x76: {  	_ =	shalt  }
0x77: {  	_ =	shalt  }
0x78: {  	_ =	shalt  }
0x79: {  	_ =	shalt  }
0x7a: {  	_ =	shalt  }
0x7b: {  	_ =	shalt  }
0x7c: {  	_ =	shalt  }
0x7d: {  	_ =	shalt  }
0x7e: {  	_ =	shalt  }
0x7f: {  	_ =	shalt  }
0x80: {  	_ =	shalt  }
0x81: {  	_ =	shalt  }
0x82: {  	_ =	shalt  }
0x83: {  	_ =	shalt  }
0x84: {  	_ =	shalt  }
0x85: {  	_ =	shalt  }
0x86: {  	_ =	shalt  }
0x87: {  	_ =	shalt  }
.Lfunc_end0:
.L_simem_size_0:
called_computation_lowered:
.L_overlay_start_0:
0x88: {  	s2 =	sld [smem:$0x3FD9]  }
0x89: {  	s3 =	sld [smem:$0x3FFE];
	_ =	sdelay $0x1  }
0x8a: {  	s1 =	srdreg.scid  }
0x8b: {  	s0 =	sand.u32 $0x1, s1  }
0x8c: {  	s17 =	sshll.u32 s0, $0xA;
	s2 =	sadd.s32 s3, s2  }
0x8d: {  	s2 =	sadd.s32 s2, s17  }
0x8e: {  	[smem:$0x3FC5] =	sst s2  }
0x8f: {  	_ = 	snop  }
0x90: {  	s2 =	sld [smem:$0x3FD0];
	(tm) =	ssettm $0x1  }
0x91: {  	s18 =	sld [smem:$0x3FFB];
	_ =	sdelay $0x3  }
0x92: {  	_ =	strace s18  }
0x93: {  	s3 =	sld [smem:$0x3FFC];
	_ =	sdelay $0x3  }
0x94: {  	_ =	strace s3  }
0x95: {  	s3 =	sld [smem:$0x3FFD];
	_ =	sdelay $0x3  }
0x96: {  	_ =	strace s3  }
0x97: {  	_ =	strace $0x8FFFFFFF  }
0x98: {  	s19 =	sld [smem:$0x3FDB];
	_ =	sdelay $0x1  }
0x99: {  	s4 =	simm.s32 $_scs_section_size  }
0x9a: {  	s5 =	simm.s32 $_size__tile_overlayer_lowered;
	s6 =	simm.s32 $_tile_overlayer_lowered  }
0x9b: {  	s22 =	simm.s32 $0x1BFF;
	s21 =	sshll.u32 s6, $0x1;
	s3 =	sadd.s32 s4, s19  }
0x9c: {  	s7 =	simm.s32 $0x0;
	s20 =	sshll.u32 s5, $0x1;
	s5 =	sadd.s32 s21, s3  }
0x9d: {  	[timem:s7], [sflag:s22] =	dma.local [hbm:s5], s20  }
0x9e: {  	_ =	swait.ge [sflag:s22], s20  }
0x9f: {  	s4 =	ssub.s32 $0x0, s20;
	[sflag:s22] =	ssyncset.done $0x0  }
0xa0: {  	[sflag:s22] =	ssyncadd.s32 s4;
	_ =	sdelay $0x1  }
0xa1: {  	s23 =	simm.s32 $0x1B8B  }
0xa2: {  	_ =	swait.ge [sflag:s23], $0x1  }
0xa3: {  	[sflag:s23] =	ssyncset.done $0x0  }
0xa4: {  	s25 =	simm.s32 $0x1B8E;
	s24 =	sld [smem:$0x3FFE];
	[sflag:s23] =	ssyncadd.s32 $0xFFFFFFFF  }
0xa5: {  	s26 =	simm.s32 $execute0_lowered;
	[smem:$0x3FD2] =	sst s25  }
0xa6: {  	s5 =	sshll.u32 s26, $0x1;
	_ =	strace $0x80000046;
	[dreg:$0x1] =	wrdreg $0xFFFFFFFF  }
0xa7: {  	s28 =	simm.s32 $_size_execute0_lowered;
	s3 =	sadd.s32 s3, s5;
	[dreg:$0x0] =	wrdreg $0x0  }
0xa8: {  	s5 =	sshll.u32 s28, $0x1;
	[dreg:$0x2] =	wrdreg s3  }
0xa9: {  	[dreg:$0x3] =	wrdreg s5  }
0xaa: {  	[dreg:$0x4] =	wrdreg $0xC0  }
0xab: {  	_ =	task [dreg:s7], $0x5FFFF  }
0xac: {  	[dreg:$0x1] =	wrdreg $0xFFFFFFFF  }
0xad: {  	[dreg:$0x0] =	wrdreg $0x60  }
0xae: {  	[dreg:$0x2] =	wrdreg s24  }
0xaf: {  	[dreg:$0x3] =	wrdreg s2  }
0xb0: {  	[dreg:$0x4] =	wrdreg $0x9  }
0xb1: {  	_ =	task.clear_ibuf [dreg:s7], $0x5FFFF;
	_ =	strace $0x90000046  }
0xb2: {  	s29 =	simm.s32 $0x9;
	_ =	strace $0x80000048  }
0xb3: {  	_ =	swait.ge [sflag:s29], $0x1  }
0xb4: {  	[sflag:s29] =	ssyncadd.s32 $0xFFFFFFFF  }
0xb5: {  	_ =	strace $0x90000048  }
0xb6: {  	_ =	sfence  }
0xb7: {  	s30 =	sld [smem:$0x0];
	_ =	sdelay $0x2  }
0xb8: {  	s31 =	sshll.u32 s1, $0xD;
	s1 =	sshrl.u32 s1, $0x2  }
0xb9: {  	s3 =	sand.u32 $0x4000, s31;
	s1 =	sadd.s32 s1, s30  }
0xba: {  	s0 =	sor.u32 s3, s0;
	s1 =	sshll.u32 s1, $0x11  }
0xbb: {  	s0 =	sor.u32 s1, s0  }
0xbc: {  	s0 =	sadd.s32 $0x8F2B, s0  }
0xbd: {  	[sflag:s0] =	ssyncadd.remote.s32 $0x1  }
0xbe: {  	_ =	sfence.sel $0xFFFF  }
0xbf: {  	[dreg:$0x0] =	wrdreg $0xFFFFFFFF;
	(pc) =	sbr.abs _section_cstart, $3  }
0xc0: {  	[dreg:$0x1] =	wrdreg $0xFFFFFFFF  }
0xc1: {  	_ =	task.clear_ibuf [dreg:s7], $0x2FFFF;
	_ =	strace $0x9FFFFFFF  }
0xc2: {  	(tm) =	ssettm $0x7FFFFFFF  }
0xc3: {  	_ =	shalt  }
tec
execute0_lowered:
.L_overlay_start_1:
0x0: {  	(tag) =	ssettag $0x1  }
0x1: {  	s4 =	rddreg [dreg:$0x0]  }
0x2: {  	s6 =	rddreg [dreg:$0x1]  }
0x3: {  	s0 =	rddreg [dreg:$0x2];
	s2 =	simm.s32 $0x0;
	s3 =	srdreg.scid  }
0x4: {  	s1 =	stileid.u32;
	s11 =	simm.s32 $0x2100;
	s12 =	simm.s32 $0x4100  }
0x5: {  	s13 =	simm.s32 $0x1;
	s14 =	simm.s32 $0x8100;
	s15 =	simm.s32 $0x0  }
0x6: {  	[smem:$0x7FF] =	sst s2;
	s5 =	sand.u32 $0x1, s3;
	s31 =	sshll.u32 s1, $0x1  }
0x7: {  	s3 =	sadd.s32 $0x199000, s4;
	_ =	strace $0x80000047;
	s7 =	sor.u32 s5, s31  }
0x8: {  	s5 =	ssub.s32 $0x2, s5;
	s8 =	sshll.u32 s7, $0x5;
	s9 =	sshll.u32 s7, $0xB  }
0x9: {  	s10 =	sshrl.u32 s5, $0x1;
	s7 =	sshll.u32 s7, $0x8;
	s8 =	sadd.s32 s8, s4  }
0xa: {  	s9 =	sadd.s32 s9, s4;
	s10 =	ssub.s32 s5, s10;
	s6 =	sadd.s32 s6, s7  }
0xb: {  	s4 =	sadd.s32 $0x2200, s8;
	s5 =	sadd.s32 $0x2600, s9;
	s7 =	smax.u32 s10, $0x1  }
0xc: {  	s8 =	simm.s32 $0x2;
	s9 =	simm.s32 $0x80;
	s10 =	simm.s32 $0x100  }
.LBB2_1:
0xd: {  	[tilespmem:s2], [sflag:$0x2] =	stream.linear.gather [hbm4b:s4+s2], $0x100, $0x38;
	[tilespmem:$0x8900] =	vst v63  }
0xe: {  	_ =	swait.ge [sflag:s8], $0x100  }
0xf: {  	[sflag:s8] =	ssyncset.done $0x0  }
0x10: {  	[sflag:s8] =	ssyncadd.s32 $0xFFFFFF00  }
0x11: {  	[tilespmem:s10], [sflag:$0x1] =	stream.indirect.gather [hbm4b:s3+s9], $0x40, s2, s9, $0xb8;
	[tilespmem:$0x8900] =	vst v63  }
0x12: {  	_ = 	snop  }
0x13: {  	[tilespmem:s11], [sflag:$0x1] =	stream.indirect.gather [hbm4b:s3+s9], $0x40, s9, s9, $0xb8;
	[tilespmem:$0x8900] =	vst v63  }
0x14: {  	_ = 	snop  }
0x15: {  	[tilespmem:s12], [sflag:$0x2] =	stream.linear.gather [hbm4b:s5+s2], $0x4000, $0x38;
	[tilespmem:$0x8900] =	vst v63  }
0x16: {  	_ =	swait.ge [sflag:s8], $0x4000  }
0x17: {  	[sflag:s8] =	ssyncset.done $0x0  }
0x18: {  	[sflag:s8] =	ssyncadd.s32 $0xFFFFC000  }
0x19: {  	_ =	swait.ge [sflag:s13], $0x2000  }
0x1a: {  	[sflag:s13] =	ssyncset.done $0x0  }
0x1b: {  	[sflag:s13] =	ssyncadd.s32 $0xFFFFE000  }
0x1c: {  	_ =	swait.ge [sflag:s13], $0x2000  }
0x1d: {  	[sflag:s13] =	ssyncset.done $0x0  }
0x1e: {  	s16 =	simm.s32 $0x0;
	[sflag:s13] =	ssyncadd.s32 $0xFFFFE000  }
0x1f: {  	v0 =	vld [tilespmem:s16+$0x4140]  }
0x20: {  	v1 =	vld [tilespmem:s16+$0x100]  }
0x21: {  	v2 =	vld [tilespmem:s16+$0x140]  }
0x22: {  	v3 =	vld [tilespmem:s16+$0x4100]  }
0x23: {  	v4 =	vld [tilespmem:s16+$0x4180]  }
0x24: {  	v5 =	vld [tilespmem:s16+$0x180]  }
0x25: {  	v6 =	vld [tilespmem:s16+$0x41C0]  }
0x26: {  	v7 =	vld [tilespmem:s16+$0x1C0]  }
0x27: {  	v0 =	vmul.f32 v0, v2;
	v1 =	vmul.f32 v3, v1;
	v2 =	vld [tilespmem:s16+$0x4200]  }
0x28: {  	v3 =	vld [tilespmem:s16+$0x200]  }
0x29: {  	v0 =	vadd.f32 v0, v1;
	v1 =	vmul.f32 v4, v5;
	v4 =	vld [tilespmem:s16+$0x4240]  }
0x2a: {  	v5 =	vld [tilespmem:s16+$0x240]  }
0x2b: {  	v0 =	vadd.f32 v1, v0;
	v1 =	vmul.f32 v6, v7;
	v6 =	vld [tilespmem:s16+$0x4280]  }
0x2c: {  	v7 =	vld [tilespmem:s16+$0x280]  }
0x2d: {  	v0 =	vadd.f32 v1, v0;
	v1 =	vmul.f32 v2, v3;
	v2 =	vld [tilespmem:s16+$0x42C0]  }
0x2e: {  	v3 =	vld [tilespmem:s16+$0x2C0]  }
0x2f: {  	v0 =	vadd.f32 v1, v0;
	v1 =	vmul.f32 v4, v5;
	_ =	sdelay $0x1  }
0x30: {  	v0 =	vadd.f32 v1, v0;
	v1 =	vmul.f32 v6, v7;
	_ =	sdelay $0x1  }
0x31: {  	v0 =	vadd.f32 v1, v0;
	v1 =	vmul.f32 v2, v3;
	_ =	sdelay $0x1  }
0x32: {  	v0 =	vadd.f32 v1, v0  }
0x33: {  	s17 =	simm.s32 $0x8120  }
0x34: {  	[tilespmem:s17+$0xFFFFFFE0] =	vst v0  }
0x35: {  	v0 =	vld [tilespmem:s16+$0x110]  }
0x36: {  	v1 =	vld [tilespmem:s16+$0x4110]  }
0x37: {  	v2 =	vld [tilespmem:s16+$0x150]  }
0x38: {  	v3 =	vld [tilespmem:s16+$0x4150]  }
0x39: {  	v4 =	vld [tilespmem:s16+$0x4190]  }
0x3a: {  	v5 =	vld [tilespmem:s16+$0x190]  }
0x3b: {  	v6 =	vld [tilespmem:s16+$0x41D0]  }
0x3c: {  	v7 =	vld [tilespmem:s16+$0x1D0]  }
0x3d: {  	v0 =	vmul.f32 v1, v0;
	v1 =	vmul.f32 v3, v2;
	v2 =	vld [tilespmem:s16+$0x4210]  }
0x3e: {  	v3 =	vld [tilespmem:s16+$0x210]  }
0x3f: {  	v0 =	vadd.f32 v1, v0;
	v1 =	vmul.f32 v4, v5;
	v4 =	vld [tilespmem:s16+$0x4250]  }
0x40: {  	v5 =	vld [tilespmem:s16+$0x250]  }
0x41: {  	v0 =	vadd.f32 v1, v0;
	v1 =	vmul.f32 v6, v7;
	v6 =	vld [tilespmem:s16+$0x4290]  }
0x42: {  	v7 =	vld [tilespmem:s16+$0x290]  }
0x43: {  	v0 =	vadd.f32 v1, v0;
	v1 =	vmul.f32 v2, v3;
	v2 =	vld [tilespmem:s16+$0x42D0]  }
0x44: {  	v3 =	vld [tilespmem:s16+$0x2D0]  }
0x45: {  	v0 =	vadd.f32 v1, v0;
	v1 =	vmul.f32 v4, v5;
	_ =	sdelay $0x1  }
0x46: {  	v0 =	vadd.f32 v1, v0;
	v1 =	vmul.f32 v6, v7;
	_ =	sdelay $0x1  }
0x47: {  	v0 =	vadd.f32 v1, v0;
	v1 =	vmul.f32 v2, v3;
	_ =	sdelay $0x1  }
0x48: {  	v0 =	vadd.f32 v1, v0;
	_ =	sdelay $0x1  }
0x49: {  	[tilespmem:s17+$0xFFFFFFF0] =	vst v0  }
0x4a: {  	v0 =	vld [tilespmem:s16+$0x120]  }
0x4b: {  	v1 =	vld [tilespmem:s16+$0x4160]  }
0x4c: {  	v2 =	vld [tilespmem:s16+$0x4120]  }
0x4d: {  	v3 =	vld [tilespmem:s16+$0x160]  }
0x4e: {  	v4 =	vld [tilespmem:s16+$0x1A0]  }
0x4f: {  	v5 =	vld [tilespmem:s16+$0x41A0]  }
0x50: {  	v6 =	vld [tilespmem:s16+$0x1E0]  }
0x51: {  	v7 =	vld [tilespmem:s16+$0x41E0]  }
0x52: {  	v0 =	vmul.f32 v2, v0;
	v1 =	vmul.f32 v1, v3;
	v2 =	vld [tilespmem:s16+$0x220]  }
0x53: {  	v3 =	vld [tilespmem:s16+$0x4220]  }
0x54: {  	v0 =	vadd.f32 v1, v0;
	v1 =	vmul.f32 v5, v4;
	v4 =	vld [tilespmem:s16+$0x260]  }
0x55: {  	v5 =	vld [tilespmem:s16+$0x4260]  }
0x56: {  	v0 =	vadd.f32 v1, v0;
	v1 =	vmul.f32 v7, v6;
	v6 =	vld [tilespmem:s16+$0x2A0]  }
0x57: {  	v7 =	vld [tilespmem:s16+$0x42A0]  }
0x58: {  	v0 =	vadd.f32 v1, v0;
	v1 =	vmul.f32 v3, v2;
	v2 =	vld [tilespmem:s16+$0x2E0]  }
0x59: {  	v3 =	vld [tilespmem:s16+$0x42E0]  }
0x5a: {  	v0 =	vadd.f32 v1, v0;
	v1 =	vmul.f32 v5, v4;
	_ =	sdelay $0x1  }
0x5b: {  	v0 =	vadd.f32 v1, v0;
	v1 =	vmul.f32 v7, v6;
	_ =	sdelay $0x1  }
0x5c: {  	v0 =	vadd.f32 v1, v0;
	v1 =	vmul.f32 v3, v2;
	_ =	sdelay $0x1  }
0x5d: {  	v0 =	vadd.f32 v1, v0;
	_ =	sdelay $0x1  }
0x5e: {  	[tilespmem:s17+$0x0] =	vst v0  }
0x5f: {  	v5 =	vld [tilespmem:s16+$0x1B0]  }
0x60: {  	v1 =	vld [tilespmem:s16+$0x130]  }
0x61: {  	v6 =	vld [tilespmem:s16+$0x41B0]  }
0x62: {  	v8 =	vld [tilespmem:s16+$0x4170]  }
0x63: {  	v7 =	vld [tilespmem:s16+$0x4130]  }
0x64: {  	v9 =	vld [tilespmem:s16+$0x170]  }
0x65: {  	v2 =	vld [tilespmem:s16+$0x1F0]  }
0x66: {  	v4 =	vld [tilespmem:s16+$0x41F0]  }
0x67: {  	v0 =	vld [tilespmem:s16+$0x230]  }
0x68: {  	v3 =	vld [tilespmem:s16+$0x4230]  }
0x69: {  	v7 =	vmul.f32 v7, v1;
	v1 =	vld [tilespmem:s16+$0x270]  }
0x6a: {  	s19 =	simm.s32 $0x800;
	s18 =	simm.s32 $0x8120;
	v6 =	vmul.f32 v6, v5;
	v8 =	vmul.f32 v8, v9;
	v5 =	vld [tilespmem:s16+$0x4270]  }
.LBB2_2:
0x6b: {  	p0 =	sne.s32 s19, $0xF800  }
0x6c: {  	v7 =	vadd.f32 v8, v7;
	v8 =	vld [tilespmem:s16+$0x2B0];
	s17 =	sadd.s32 $0x40, s17;
	s20 =	smov.u32 s19;
	s19 =	sadd.s32 $0x800, s19  }
0x6d: {  	v2 =	vmul.f32 v4, v2;
	v4 =	vld [tilespmem:s16+$0x42B0]  }
0x6e: {  	v6 =	vadd.f32 v6, v7;
	v7 =	vld [tilespmem:s16+$0x2F0]  }
0x6f: {  	v0 =	vmul.f32 v3, v0;
	v3 =	vld [tilespmem:s16+$0x42F0]  }
0x70: {  	v2 =	vadd.f32 v2, v6;
	v1 =	vmul.f32 v5, v1;
	_ =	sdelay $0x1  }
0x71: {  	v0 =	vadd.f32 v0, v2;
	v2 =	vmul.f32 v4, v8;
	_ =	sdelay $0x1  }
0x72: {  	v0 =	vadd.f32 v1, v0;
	v1 =	vmul.f32 v3, v7;
	_ =	sdelay $0x1  }
0x73: {  	v0 =	vadd.f32 v2, v0;
	_ =	sdelay $0x1  }
0x74: {  	v0 =	vadd.f32 v1, v0;
	_ =	sdelay $0x1  }
0x75: {  	s16 =	sshra.s32 s20, $0x2;
	[tilespmem:s18+$0x10] =	vst v0;
	s18 =	smov.u32 s17  }
0x76: {  	v0 =	vld [tilespmem:s16+$0x4140]  }
0x77: {  	v1 =	vld [tilespmem:s16+$0x100]  }
0x78: {  	v2 =	vld [tilespmem:s16+$0x140]  }
0x79: {  	v3 =	vld [tilespmem:s16+$0x4100]  }
0x7a: {  	v4 =	vld [tilespmem:s16+$0x4180]  }
0x7b: {  	v5 =	vld [tilespmem:s16+$0x180]  }
0x7c: {  	v6 =	vld [tilespmem:s16+$0x41C0]  }
0x7d: {  	v0 =	vmul.f32 v0, v2;
	v2 =	vld [tilespmem:s16+$0x1C0]  }
0x7e: {  	v1 =	vmul.f32 v3, v1;
	v3 =	vld [tilespmem:s16+$0x4200]  }
0x7f: {  	v7 =	vld [tilespmem:s16+$0x200]  }
0x80: {  	v0 =	vadd.f32 v0, v1;
	v1 =	vmul.f32 v4, v5;
	v4 =	vld [tilespmem:s16+$0x4240]  }
0x81: {  	v5 =	vld [tilespmem:s16+$0x240]  }
0x82: {  	v0 =	vadd.f32 v1, v0;
	v1 =	vmul.f32 v6, v2;
	v2 =	vld [tilespmem:s16+$0x4280]  }
0x83: {  	v6 =	vld [tilespmem:s16+$0x280]  }
0x84: {  	v0 =	vadd.f32 v1, v0;
	v1 =	vmul.f32 v3, v7;
	v3 =	vld [tilespmem:s16+$0x42C0]  }
0x85: {  	v7 =	vld [tilespmem:s16+$0x2C0]  }
0x86: {  	v0 =	vadd.f32 v1, v0;
	v1 =	vmul.f32 v4, v5;
	_ =	sdelay $0x1  }
0x87: {  	v0 =	vadd.f32 v1, v0;
	v1 =	vmul.f32 v2, v6;
	_ =	sdelay $0x1  }
0x88: {  	v0 =	vadd.f32 v1, v0;
	v1 =	vmul.f32 v3, v7;
	_ =	sdelay $0x1  }
0x89: {  	v0 =	vadd.f32 v1, v0;
	_ =	sdelay $0x1  }
0x8a: {  	[tilespmem:s17+$0xFFFFFFE0] =	vst v0  }
0x8b: {  	v0 =	vld [tilespmem:s16+$0x110]  }
0x8c: {  	v1 =	vld [tilespmem:s16+$0x4110]  }
0x8d: {  	v2 =	vld [tilespmem:s16+$0x150]  }
0x8e: {  	v3 =	vld [tilespmem:s16+$0x4150]  }
0x8f: {  	v4 =	vld [tilespmem:s16+$0x4190]  }
0x90: {  	v5 =	vld [tilespmem:s16+$0x190]  }
0x91: {  	v0 =	vmul.f32 v1, v0;
	v1 =	vld [tilespmem:s16+$0x41D0]  }
0x92: {  	v6 =	vld [tilespmem:s16+$0x1D0]  }
0x93: {  	v2 =	vmul.f32 v3, v2;
	v3 =	vld [tilespmem:s16+$0x4210]  }
0x94: {  	v7 =	vld [tilespmem:s16+$0x210]  }
0x95: {  	v0 =	vadd.f32 v2, v0;
	v2 =	vmul.f32 v4, v5;
	v4 =	vld [tilespmem:s16+$0x4250]  }
0x96: {  	v5 =	vld [tilespmem:s16+$0x250]  }
0x97: {  	v0 =	vadd.f32 v2, v0;
	v1 =	vmul.f32 v1, v6;
	v2 =	vld [tilespmem:s16+$0x4290]  }
0x98: {  	v6 =	vld [tilespmem:s16+$0x290]  }
0x99: {  	v0 =	vadd.f32 v1, v0;
	v1 =	vmul.f32 v3, v7;
	v3 =	vld [tilespmem:s16+$0x42D0]  }
0x9a: {  	v7 =	vld [tilespmem:s16+$0x2D0]  }
0x9b: {  	v0 =	vadd.f32 v1, v0;
	v1 =	vmul.f32 v4, v5;
	_ =	sdelay $0x1  }
0x9c: {  	v0 =	vadd.f32 v1, v0;
	v1 =	vmul.f32 v2, v6;
	_ =	sdelay $0x1  }
0x9d: {  	v0 =	vadd.f32 v1, v0;
	v1 =	vmul.f32 v3, v7;
	_ =	sdelay $0x1  }
0x9e: {  	v0 =	vadd.f32 v1, v0;
	_ =	sdelay $0x1  }
0x9f: {  	[tilespmem:s17+$0xFFFFFFF0] =	vst v0  }
0xa0: {  	v0 =	vld [tilespmem:s16+$0x120]  }
0xa1: {  	v1 =	vld [tilespmem:s16+$0x4160]  }
0xa2: {  	v2 =	vld [tilespmem:s16+$0x4120]  }
0xa3: {  	v3 =	vld [tilespmem:s16+$0x160]  }
0xa4: {  	v4 =	vld [tilespmem:s16+$0x1A0]  }
0xa5: {  	v5 =	vld [tilespmem:s16+$0x41A0]  }
0xa6: {  	v6 =	vld [tilespmem:s16+$0x1E0]  }
0xa7: {  	v0 =	vmul.f32 v2, v0;
	v2 =	vld [tilespmem:s16+$0x41E0]  }
0xa8: {  	v1 =	vmul.f32 v1, v3;
	v3 =	vld [tilespmem:s16+$0x220]  }
0xa9: {  	v7 =	vld [tilespmem:s16+$0x4220]  }
0xaa: {  	v0 =	vadd.f32 v1, v0;
	v1 =	vmul.f32 v5, v4;
	v4 =	vld [tilespmem:s16+$0x260]  }
0xab: {  	v5 =	vld [tilespmem:s16+$0x4260]  }
0xac: {  	v0 =	vadd.f32 v1, v0;
	v1 =	vmul.f32 v2, v6;
	v2 =	vld [tilespmem:s16+$0x2A0]  }
0xad: {  	v6 =	vld [tilespmem:s16+$0x42A0]  }
0xae: {  	v0 =	vadd.f32 v1, v0;
	v1 =	vmul.f32 v7, v3;
	v3 =	vld [tilespmem:s16+$0x2E0]  }
0xaf: {  	v7 =	vld [tilespmem:s16+$0x42E0]  }
0xb0: {  	v0 =	vadd.f32 v1, v0;
	v1 =	vmul.f32 v5, v4;
	_ =	sdelay $0x1  }
0xb1: {  	v0 =	vadd.f32 v1, v0;
	v1 =	vmul.f32 v6, v2;
	_ =	sdelay $0x1  }
0xb2: {  	v0 =	vadd.f32 v1, v0;
	v1 =	vmul.f32 v7, v3;
	_ =	sdelay $0x1  }
0xb3: {  	v0 =	vadd.f32 v1, v0;
	_ =	sdelay $0x1  }
0xb4: {  	[tilespmem:s17+$0x0] =	vst v0  }
0xb5: {  	v1 =	vld [tilespmem:s16+$0x1B0]  }
0xb6: {  	v3 =	vld [tilespmem:s16+$0x130]  }
0xb7: {  	v5 =	vld [tilespmem:s16+$0x41B0]  }
0xb8: {  	v8 =	vld [tilespmem:s16+$0x4170]  }
0xb9: {  	v6 =	vld [tilespmem:s16+$0x4130]  }
0xba: {  	v9 =	vld [tilespmem:s16+$0x170]  }
0xbb: {  	v2 =	vld [tilespmem:s16+$0x1F0]  }
.Ltmp0:
0xbc: {  	v4 =	vld [tilespmem:s16+$0x41F0];
	(pc) =	sbr.rel @p0 .LBB2_2-.Ltmp0, $4  }
0xbd: {  	v0 =	vld [tilespmem:s16+$0x230]  }
0xbe: {  	v7 =	vmul.f32 v6, v3;
	v6 =	vmul.f32 v5, v1;
	v3 =	vld [tilespmem:s16+$0x4230]  }
0xbf: {  	v8 =	vmul.f32 v8, v9;
	v1 =	vld [tilespmem:s16+$0x270]  }
0xc0: {  	v5 =	vld [tilespmem:s16+$0x4270]  }
0xc1: {  	v7 =	vadd.f32 v8, v7;
	_ =	sdelay $0x1  }
0xc2: {  	v57 =	vld [tilespmem:s16+$0x2B0];
	v2 =	vmul.f32 v4, v2;
	v58 =	vadd.f32 v6, v7  }
0xc3: {  	v59 =	vld [tilespmem:s16+$0x42B0]  }
0xc4: {  	v60 =	vld [tilespmem:s16+$0x2F0];
	v0 =	vmul.f32 v3, v0;
	v2 =	vadd.f32 v2, v58  }
0xc5: {  	v61 =	vld [tilespmem:s16+$0x42F0]  }
0xc6: {  	v1 =	vmul.f32 v5, v1;
	v0 =	vadd.f32 v0, v2;
	_ =	sdelay $0x1  }
0xc7: {  	v62 =	vmul.f32 v59, v57;
	v0 =	vadd.f32 v1, v0;
	_ =	sdelay $0x1  }
0xc8: {  	v63 =	vmul.f32 v61, v60;
	v0 =	vadd.f32 v62, v0;
	_ =	sdelay $0x1  }
0xc9: {  	s15 =	sadd.s32 $0x1, s15;
	v0 =	vadd.f32 v63, v0  }
0xca: {  	p0 =	sne.s32 s15, s7  }
.Ltmp1:
0xcb: {  	[tilespmem:s18+$0x10] =	vst v0;
	(pc) =	sbr.rel @p0 .LBB2_1-.Ltmp1, $4  }
0xcc: {  	[hbm4b:s6+s2] =	stream.linear.scatter [tilespmem:s14], [sflag:$0x2], $0x800, $0x38;
	[tilespmem:$0x8900] =	vst v63  }
0xcd: {  	_ =	swait.ge [sflag:s8], $0x800  }
0xce: {  	[sflag:s8] =	ssyncset.done $0x0  }
0xcf: {  	[sflag:s8] =	ssyncadd.s32 $0xFFFFF800  }
0xd0: {  	_ =	sfence.sel $0x180000  }
0xd1: {  	[bflag:$0x0] =	sbarrier.arrive $0xFFFF  }
0xd2: {  	p0 =	sne.s32 s1, $0x0;
	_ =	strace $0x90000047  }
0xd3: {  	s0 =	sadd.s32 @!p0 $0x100000, s0;
	[bflag:$0x2] =	sbarrier.arrive $0xFFFF  }
0xd4: {  	[sflag:s0] =	ssyncadd.tile.s32 @!p0 $0x1;
	_ =	shalt  }
.Lfunc_end2:
_tile_overlayer_lowered:
.L_overlay_start_2:
0xd5: {  	(tag) =	ssettag $0x2  }
0xd6: {  	s0 =	rddreg [dreg:$0x0];
	s2 =	stileid.u32  }
0xd7: {  	s1 =	rddreg [dreg:$0x1];
	p0 =	sne.s32 s2, $0x0  }
0xd8: {  	s3 =	rddreg [dreg:$0x2];
	[bflag:$0x3] =	sbarrier.arrive $0xFFFF;
	s2 =	simm.s32 @!p0 $0x1C02  }
0xd9: {  	[timem:s3], [sflag:s2] =	dma.local @!p0 [hbm:s0], s1  }
0xda: {  	s0 =	simm.s32 @!p0 $0x2  }
0xdb: {  	_ =	swait.ge @!p0 [sflag:s0], s1  }
0xdc: {  	s1 =	ssub.s32 @!p0 $0x0, s1;
	[sflag:s0] =	ssyncset.done @!p0 $0x0  }
0xdd: {  	[sflag:s0] =	ssyncadd.s32 @!p0 s1  }
0xde: {  	[bflag:$0x3] =	sbarrier.arrive $0xFFFF  }
0xdf: {  	_ =	shalt  }

</sc_bundles>
